<compile_context>
chip_gen: v7x
topology: tpu7x:2x2x1
jax: 0.10.2.dev20260603
libtpu: 0.0.44.dev20260713+nightly
codegen_flags: <defaults>
</compile_context>

<pallas_src>
import functools

import jax
import jax.numpy as jnp
from jax import lax
from jax.experimental import pallas as pl
from jax.experimental.pallas import tpu as pltpu
from jax.experimental.pallas import tpu_sc as plsc

NC = 2
NS = 16
NW = NC * NS
LANES = 16


@functools.lru_cache(maxsize=None)
def _build(B, L, V, D):
    EPW = B // NW
    NCH = -(-L // 128)
    assert L % NCH == 0
    CH = L // NCH
    DV = D // LANES
    NBUF = 4
    ROWS_PER_W = EPW * NCH

    mesh = plsc.VectorSubcoreMesh(core_axis_name="c", subcore_axis_name="s")

    @functools.partial(
        pl.kernel,
        out_type=jax.ShapeDtypeStruct((B, D), jnp.float32),
        mesh=mesh,
        compiler_params=pltpu.CompilerParams(use_tc_tiling_on_sc=False),
        scratch_types=[
            pltpu.VMEM((ROWS_PER_W, CH), jnp.int32),
            pltpu.VMEM((NBUF, L, D), jnp.float32),
            pltpu.VMEM((EPW, D), jnp.float32),
            [pltpu.SemaphoreType.DMA] * NBUF,
        ],
    )
    def encoder(tok_hbm, table_hbm, out_hbm, idx_v, rows_v, out_v, sems):
        wid = lax.axis_index("s") * NC + lax.axis_index("c")
        base = wid * EPW

        pltpu.sync_copy(tok_hbm.at[pl.ds(wid * ROWS_PER_W, ROWS_PER_W)], idx_v)

        def fire(e, b):
            for c in range(NCH):
                pltpu.async_copy(
                    table_hbm.at[idx_v.at[e * NCH + c]],
                    rows_v.at[b, pl.ds(c * CH, CH)],
                    sems[b],
                )

        def drain(e, b):
            for c in range(NCH):
                pltpu.make_async_copy(
                    table_hbm.at[idx_v.at[e * NCH + c]],
                    rows_v.at[b, pl.ds(c * CH, CH)],
                    sems[b],
                ).wait()

        for b in range(NBUF):
            fire(b, b)

        inv_l = jnp.float32(1.0 / L)

        def reduce_elem(e, b):
            def body(j, accs):
                return tuple(
                    a + rows_v[b, j, pl.ds(k * LANES, LANES)]
                    for k, a in enumerate(accs)
                )
            accs = lax.fori_loop(
                0, L, body,
                tuple(jnp.zeros((LANES,), jnp.float32) for _ in range(DV)),
                unroll=8,
            )
            for k in range(DV):
                out_v[e, pl.ds(k * LANES, LANES)] = accs[k] * inv_l

        def outer(g, carry):
            for b in range(NBUF):
                e = g * NBUF + b
                drain(e, b)
                reduce_elem(e, b)

                @pl.when(e + NBUF < EPW)
                def _():
                    fire(e + NBUF, b)
            return carry

        lax.fori_loop(0, EPW // NBUF, outer, 0)

        pltpu.sync_copy(out_v, out_hbm.at[pl.ds(base, EPW)])

    return encoder


def kernel(token_ids, table):
    B, L = token_ids.shape
    V, D = table.shape
    enc = _build(B, L, V, D)
    NCH = -(-L // 128)
    tok = token_ids.astype(jnp.int32).reshape(B * NCH, L // NCH)
    table_rm = lax.optimization_barrier(table.T).T
    return enc(tok, table_rm)

# --- scband reference (transcript-rebuilt; emitter-appended) ---
"""Pipeline reference for scband-text-encoder-9775345566225 (READ-ONLY COPY).

The authoritative reference and input builder live on the scoring server;
editing this copy changes nothing except your own understanding.
"""

import jax, jax.numpy as jnp
import numpy as np

VOCAB = 1000000
EMB = 64
B = 4096
L = 200

def setup_inputs(seed: int = 0) -> dict:
    key = jax.random.key(seed)
    k1, k2 = jax.random.split(key)
    token_ids = jax.random.randint(k1, (B, L), 0, VOCAB, dtype=jnp.int64 if jax.config.jax_enable_x64 else jnp.int32)
    # Embedding table (learned parameter), N(0,1) like torch default
    table = jax.random.normal(k2, (VOCAB, EMB), dtype=jnp.float32)
    return {"token_ids": token_ids, "table": table}

def reference(token_ids, table):
    # nn.Embedding lookup -> gather rows; then mean over sequence dim (dim=1)
    emb = jnp.take(table, token_ids, axis=0)  # [B, L, EMB]
    return emb.mean(axis=1)  # [B, EMB]

if __name__ == "__main__":
    import jax
    _d = setup_inputs()
    print(jax.jit(kernel)(*tuple(_d.values())))

</pallas_src>

<mosaic_0001>
#map = affine_map<(d0, d1) -> (0, 0)>
module attributes {stable_mosaic.version = 14 : i64} {
  func.func @encoder(%arg0: i32, %arg1: i32, %arg2: memref<8192x100xi32, #tpu.memory_space<hbm>>, %arg3: memref<1000000x64xf32, #tpu.memory_space<hbm>>, %arg4: memref<4096x64xf32, #tpu.memory_space<hbm>>, %arg5: memref<256x100xi32, #tpu.memory_space<vmem>>, %arg6: memref<4x200x64xf32, #tpu.memory_space<vmem>>, %arg7: memref<128x64xf32, #tpu.memory_space<vmem>>, %arg8: memref<!tpu.dma_semaphore, #tpu.memory_space<semaphore_mem>>, %arg9: memref<!tpu.dma_semaphore, #tpu.memory_space<semaphore_mem>>, %arg10: memref<!tpu.dma_semaphore, #tpu.memory_space<semaphore_mem>>, %arg11: memref<!tpu.dma_semaphore, #tpu.memory_space<semaphore_mem>>) attributes {dimension_semantics = [#tpu.dimension_semantics<core_parallel>, #tpu.dimension_semantics<subcore_parallel>], iteration_bounds = array<i64: 2, 16>, scalar_prefetch = 0 : i64, scratch_operands = 7 : i64, tpu.core_type = #tpu.core_type<sc_vector_subcore>, window_params = [{transform_indices = #map}, {transform_indices = #map}, {transform_indices = #map}]} {
    %mul3A = arith.constant 2 : i32
    %mul3A_0 = arith.muli %arg1, %mul3A : i32
    %add3A = arith.addi %mul3A_0, %arg0 : i32
    %mul3A_1 = arith.constant 128 : i32
    %mul3A_2 = arith.muli %add3A, %mul3A_1 : i32
    %mul3A_3 = arith.constant 256 : i32
    %mul3A_4 = arith.muli %add3A, %mul3A_3 : i32
    "tpu.region"() ({
      %run_scoped3A = tpu.sem_alloc : memref<!tpu.dma_semaphore, #tpu.memory_space<semaphore_mem>>
      %dma_start3A_106 = arith.constant 0 : i32
      %dma_start3A_107 = tpu.memref_slice %arg2[%mul3A_4, %dma_start3A_106] : memref<8192x100xi32, #tpu.memory_space<hbm>> -> memref<256x100xi32, #tpu.memory_space<hbm>>
      %dma_start3A_108 = arith.constant 0 : i32
      %dma_start3A_109 = tpu.memref_slice %arg2[%mul3A_4, %dma_start3A_108] : memref<8192x100xi32, #tpu.memory_space<hbm>> -> memref<256x100xi32, #tpu.memory_space<hbm>>
      tpu.enqueue_dma source(%dma_start3A_109 : memref<256x100xi32, #tpu.memory_space<hbm>>) target(%arg5 : memref<256x100xi32, #tpu.memory_space<vmem>>) target_semaphore(%run_scoped3A : memref<!tpu.dma_semaphore, #tpu.memory_space<semaphore_mem>>)
      %dma_wait3A = arith.constant 0 : i32
      %dma_wait3A_110 = tpu.memref_slice %arg2[%mul3A_4, %dma_wait3A] : memref<8192x100xi32, #tpu.memory_space<hbm>> -> memref<256x100xi32, #tpu.memory_space<hbm>>
      %dma_wait3A_111 = arith.constant 0 : i32
      %dma_wait3A_112 = tpu.memref_slice %arg2[%mul3A_4, %dma_wait3A_111] : memref<8192x100xi32, #tpu.memory_space<hbm>> -> memref<256x100xi32, #tpu.memory_space<hbm>>
      tpu.wait_dma2 semaphore(%run_scoped3A : memref<!tpu.dma_semaphore, #tpu.memory_space<semaphore_mem>>) src(%dma_wait3A_112 : memref<256x100xi32, #tpu.memory_space<hbm>>) dst(%arg5 : memref<256x100xi32, #tpu.memory_space<vmem>>)
      tpu.yield
    }) : () -> ()
    %dma_start3A = arith.constant 0 : i32
    %dma_start3A_5 = arith.constant 0 : i32
    %dma_start3A_6 = arith.constant 0 : i32
    %dma_start3A_7 = arith.constant 0 : i32
    %dma_start3A_8 = tpu.memref_slice %arg6[%dma_start3A_5, %dma_start3A_6, %dma_start3A_7] : memref<4x200x64xf32, #tpu.memory_space<vmem>> -> memref<1x100x64xf32, #tpu.memory_space<vmem>>
    %dma_start3A_9 = tpu.memref_squeeze %dma_start3A_8 : memref<1x100x64xf32, #tpu.memory_space<vmem>> -> memref<100x64xf32, #tpu.memory_space<vmem>>
    %dma_start3A_10 = arith.constant 0 : i32
    %dma_start3A_11 = tpu.memref_slice %arg5[%dma_start3A, %dma_start3A_10] : memref<256x100xi32, #tpu.memory_space<vmem>> -> memref<1x100xi32, #tpu.memory_space<vmem>>
    %dma_start3A_12 = tpu.memref_squeeze %dma_start3A_11 : memref<1x100xi32, #tpu.memory_space<vmem>> -> memref<100xi32, #tpu.memory_space<vmem>>
    %dma_start3A_13 = arith.constant 0 : i32
    %dma_start3A_14 = arith.constant 0 : i32
    %dma_start3A_15 = tpu.memref_slice %arg3[%dma_start3A_13, %dma_start3A_14] : memref<1000000x64xf32, #tpu.memory_space<hbm>> -> memref<1000000x64xf32, #tpu.memory_space<hbm>>
    tpu.enqueue_indirect_dma source(%dma_start3A_15 : memref<1000000x64xf32, #tpu.memory_space<hbm>>) target(%dma_start3A_9 : memref<100x64xf32, #tpu.memory_space<vmem>>) offsets(%dma_start3A_12 : memref<100xi32, #tpu.memory_space<vmem>>) semaphore(%arg8 : memref<!tpu.dma_semaphore, #tpu.memory_space<semaphore_mem>>)
    %dma_start3A_16 = arith.constant 1 : i32
    %dma_start3A_17 = arith.constant 0 : i32
    %dma_start3A_18 = arith.constant 100 : i32
    %dma_start3A_19 = arith.constant 0 : i32
    %dma_start3A_20 = tpu.memref_slice %arg6[%dma_start3A_17, %dma_start3A_18, %dma_start3A_19] : memref<4x200x64xf32, #tpu.memory_space<vmem>> -> memref<1x100x64xf32, #tpu.memory_space<vmem>>
    %dma_start3A_21 = tpu.memref_squeeze %dma_start3A_20 : memref<1x100x64xf32, #tpu.memory_space<vmem>> -> memref<100x64xf32, #tpu.memory_space<vmem>>
    %dma_start3A_22 = arith.constant 0 : i32
    %dma_start3A_23 = tpu.memref_slice %arg5[%dma_start3A_16, %dma_start3A_22] : memref<256x100xi32, #tpu.memory_space<vmem>> -> memref<1x100xi32, #tpu.memory_space<vmem>>
    %dma_start3A_24 = tpu.memref_squeeze %dma_start3A_23 : memref<1x100xi32, #tpu.memory_space<vmem>> -> memref<100xi32, #tpu.memory_space<vmem>>
    %dma_start3A_25 = arith.constant 0 : i32
    %dma_start3A_26 = arith.constant 0 : i32
    %dma_start3A_27 = tpu.memref_slice %arg3[%dma_start3A_25, %dma_start3A_26] : memref<1000000x64xf32, #tpu.memory_space<hbm>> -> memref<1000000x64xf32, #tpu.memory_space<hbm>>
    tpu.enqueue_indirect_dma source(%dma_start3A_27 : memref<1000000x64xf32, #tpu.memory_space<hbm>>) target(%dma_start3A_21 : memref<100x64xf32, #tpu.memory_space<vmem>>) offsets(%dma_start3A_24 : memref<100xi32, #tpu.memory_space<vmem>>) semaphore(%arg8 : memref<!tpu.dma_semaphore, #tpu.memory_space<semaphore_mem>>)
    %dma_start3A_28 = arith.constant 2 : i32
    %dma_start3A_29 = arith.constant 1 : i32
    %dma_start3A_30 = arith.constant 0 : i32
    %dma_start3A_31 = arith.constant 0 : i32
    %dma_start3A_32 = tpu.memref_slice %arg6[%dma_start3A_29, %dma_start3A_30, %dma_start3A_31] : memref<4x200x64xf32, #tpu.memory_space<vmem>> -> memref<1x100x64xf32, #tpu.memory_space<vmem>>
    %dma_start3A_33 = tpu.memref_squeeze %dma_start3A_32 : memref<1x100x64xf32, #tpu.memory_space<vmem>> -> memref<100x64xf32, #tpu.memory_space<vmem>>
    %dma_start3A_34 = arith.constant 0 : i32
    %dma_start3A_35 = tpu.memref_slice %arg5[%dma_start3A_28, %dma_start3A_34] : memref<256x100xi32, #tpu.memory_space<vmem>> -> memref<1x100xi32, #tpu.memory_space<vmem>>
    %dma_start3A_36 = tpu.memref_squeeze %dma_start3A_35 : memref<1x100xi32, #tpu.memory_space<vmem>> -> memref<100xi32, #tpu.memory_space<vmem>>
    %dma_start3A_37 = arith.constant 0 : i32
    %dma_start3A_38 = arith.constant 0 : i32
    %dma_start3A_39 = tpu.memref_slice %arg3[%dma_start3A_37, %dma_start3A_38] : memref<1000000x64xf32, #tpu.memory_space<hbm>> -> memref<1000000x64xf32, #tpu.memory_space<hbm>>
    tpu.enqueue_indirect_dma source(%dma_start3A_39 : memref<1000000x64xf32, #tpu.memory_space<hbm>>) target(%dma_start3A_33 : memref<100x64xf32, #tpu.memory_space<vmem>>) offsets(%dma_start3A_36 : memref<100xi32, #tpu.memory_space<vmem>>) semaphore(%arg9 : memref<!tpu.dma_semaphore, #tpu.memory_space<semaphore_mem>>)
    %dma_start3A_40 = arith.constant 3 : i32
    %dma_start3A_41 = arith.constant 1 : i32
    %dma_start3A_42 = arith.constant 100 : i32
    %dma_start3A_43 = arith.constant 0 : i32
    %dma_start3A_44 = tpu.memref_slice %arg6[%dma_start3A_41, %dma_start3A_42, %dma_start3A_43] : memref<4x200x64xf32, #tpu.memory_space<vmem>> -> memref<1x100x64xf32, #tpu.memory_space<vmem>>
    %dma_start3A_45 = tpu.memref_squeeze %dma_start3A_44 : memref<1x100x64xf32, #tpu.memory_space<vmem>> -> memref<100x64xf32, #tpu.memory_space<vmem>>
    %dma_start3A_46 = arith.constant 0 : i32
    %dma_start3A_47 = tpu.memref_slice %arg5[%dma_start3A_40, %dma_start3A_46] : memref<256x100xi32, #tpu.memory_space<vmem>> -> memref<1x100xi32, #tpu.memory_space<vmem>>
    %dma_start3A_48 = tpu.memref_squeeze %dma_start3A_47 : memref<1x100xi32, #tpu.memory_space<vmem>> -> memref<100xi32, #tpu.memory_space<vmem>>
    %dma_start3A_49 = arith.constant 0 : i32
    %dma_start3A_50 = arith.constant 0 : i32
    %dma_start3A_51 = tpu.memref_slice %arg3[%dma_start3A_49, %dma_start3A_50] : memref<1000000x64xf32, #tpu.memory_space<hbm>> -> memref<1000000x64xf32, #tpu.memory_space<hbm>>
    tpu.enqueue_indirect_dma source(%dma_start3A_51 : memref<1000000x64xf32, #tpu.memory_space<hbm>>) target(%dma_start3A_45 : memref<100x64xf32, #tpu.memory_space<vmem>>) offsets(%dma_start3A_48 : memref<100xi32, #tpu.memory_space<vmem>>) semaphore(%arg9 : memref<!tpu.dma_semaphore, #tpu.memory_space<semaphore_mem>>)
    %dma_start3A_52 = arith.constant 4 : i32
    %dma_start3A_53 = arith.constant 2 : i32
    %dma_start3A_54 = arith.constant 0 : i32
    %dma_start3A_55 = arith.constant 0 : i32
    %dma_start3A_56 = tpu.memref_slice %arg6[%dma_start3A_53, %dma_start3A_54, %dma_start3A_55] : memref<4x200x64xf32, #tpu.memory_space<vmem>> -> memref<1x100x64xf32, #tpu.memory_space<vmem>>
    %dma_start3A_57 = tpu.memref_squeeze %dma_start3A_56 : memref<1x100x64xf32, #tpu.memory_space<vmem>> -> memref<100x64xf32, #tpu.memory_space<vmem>>
    %dma_start3A_58 = arith.constant 0 : i32
    %dma_start3A_59 = tpu.memref_slice %arg5[%dma_start3A_52, %dma_start3A_58] : memref<256x100xi32, #tpu.memory_space<vmem>> -> memref<1x100xi32, #tpu.memory_space<vmem>>
    %dma_start3A_60 = tpu.memref_squeeze %dma_start3A_59 : memref<1x100xi32, #tpu.memory_space<vmem>> -> memref<100xi32, #tpu.memory_space<vmem>>
    %dma_start3A_61 = arith.constant 0 : i32
    %dma_start3A_62 = arith.constant 0 : i32
    %dma_start3A_63 = tpu.memref_slice %arg3[%dma_start3A_61, %dma_start3A_62] : memref<1000000x64xf32, #tpu.memory_space<hbm>> -> memref<1000000x64xf32, #tpu.memory_space<hbm>>
    tpu.enqueue_indirect_dma source(%dma_start3A_63 : memref<1000000x64xf32, #tpu.memory_space<hbm>>) target(%dma_start3A_57 : memref<100x64xf32, #tpu.memory_space<vmem>>) offsets(%dma_start3A_60 : memref<100xi32, #tpu.memory_space<vmem>>) semaphore(%arg10 : memref<!tpu.dma_semaphore, #tpu.memory_space<semaphore_mem>>)
    %dma_start3A_64 = arith.constant 5 : i32
    %dma_start3A_65 = arith.constant 2 : i32
    %dma_start3A_66 = arith.constant 100 : i32
    %dma_start3A_67 = arith.constant 0 : i32
    %dma_start3A_68 = tpu.memref_slice %arg6[%dma_start3A_65, %dma_start3A_66, %dma_start3A_67] : memref<4x200x64xf32, #tpu.memory_space<vmem>> -> memref<1x100x64xf32, #tpu.memory_space<vmem>>
    %dma_start3A_69 = tpu.memref_squeeze %dma_start3A_68 : memref<1x100x64xf32, #tpu.memory_space<vmem>> -> memref<100x64xf32, #tpu.memory_space<vmem>>
    %dma_start3A_70 = arith.constant 0 : i32
    %dma_start3A_71 = tpu.memref_slice %arg5[%dma_start3A_64, %dma_start3A_70] : memref<256x100xi32, #tpu.memory_space<vmem>> -> memref<1x100xi32, #tpu.memory_space<vmem>>
    %dma_start3A_72 = tpu.memref_squeeze %dma_start3A_71 : memref<1x100xi32, #tpu.memory_space<vmem>> -> memref<100xi32, #tpu.memory_space<vmem>>
    %dma_start3A_73 = arith.constant 0 : i32
    %dma_start3A_74 = arith.constant 0 : i32
    %dma_start3A_75 = tpu.memref_slice %arg3[%dma_start3A_73, %dma_start3A_74] : memref<1000000x64xf32, #tpu.memory_space<hbm>> -> memref<1000000x64xf32, #tpu.memory_space<hbm>>
    tpu.enqueue_indirect_dma source(%dma_start3A_75 : memref<1000000x64xf32, #tpu.memory_space<hbm>>) target(%dma_start3A_69 : memref<100x64xf32, #tpu.memory_space<vmem>>) offsets(%dma_start3A_72 : memref<100xi32, #tpu.memory_space<vmem>>) semaphore(%arg10 : memref<!tpu.dma_semaphore, #tpu.memory_space<semaphore_mem>>)
    %dma_start3A_76 = arith.constant 6 : i32
    %dma_start3A_77 = arith.constant 3 : i32
    %dma_start3A_78 = arith.constant 0 : i32
    %dma_start3A_79 = arith.constant 0 : i32
    %dma_start3A_80 = tpu.memref_slice %arg6[%dma_start3A_77, %dma_start3A_78, %dma_start3A_79] : memref<4x200x64xf32, #tpu.memory_space<vmem>> -> memref<1x100x64xf32, #tpu.memory_space<vmem>>
    %dma_start3A_81 = tpu.memref_squeeze %dma_start3A_80 : memref<1x100x64xf32, #tpu.memory_space<vmem>> -> memref<100x64xf32, #tpu.memory_space<vmem>>
    %dma_start3A_82 = arith.constant 0 : i32
    %dma_start3A_83 = tpu.memref_slice %arg5[%dma_start3A_76, %dma_start3A_82] : memref<256x100xi32, #tpu.memory_space<vmem>> -> memref<1x100xi32, #tpu.memory_space<vmem>>
    %dma_start3A_84 = tpu.memref_squeeze %dma_start3A_83 : memref<1x100xi32, #tpu.memory_space<vmem>> -> memref<100xi32, #tpu.memory_space<vmem>>
    %dma_start3A_85 = arith.constant 0 : i32
    %dma_start3A_86 = arith.constant 0 : i32
    %dma_start3A_87 = tpu.memref_slice %arg3[%dma_start3A_85, %dma_start3A_86] : memref<1000000x64xf32, #tpu.memory_space<hbm>> -> memref<1000000x64xf32, #tpu.memory_space<hbm>>
    tpu.enqueue_indirect_dma source(%dma_start3A_87 : memref<1000000x64xf32, #tpu.memory_space<hbm>>) target(%dma_start3A_81 : memref<100x64xf32, #tpu.memory_space<vmem>>) offsets(%dma_start3A_84 : memref<100xi32, #tpu.memory_space<vmem>>) semaphore(%arg11 : memref<!tpu.dma_semaphore, #tpu.memory_space<semaphore_mem>>)
    %dma_start3A_88 = arith.constant 7 : i32
    %dma_start3A_89 = arith.constant 3 : i32
    %dma_start3A_90 = arith.constant 100 : i32
    %dma_start3A_91 = arith.constant 0 : i32
    %dma_start3A_92 = tpu.memref_slice %arg6[%dma_start3A_89, %dma_start3A_90, %dma_start3A_91] : memref<4x200x64xf32, #tpu.memory_space<vmem>> -> memref<1x100x64xf32, #tpu.memory_space<vmem>>
    %dma_start3A_93 = tpu.memref_squeeze %dma_start3A_92 : memref<1x100x64xf32, #tpu.memory_space<vmem>> -> memref<100x64xf32, #tpu.memory_space<vmem>>
    %dma_start3A_94 = arith.constant 0 : i32
    %dma_start3A_95 = tpu.memref_slice %arg5[%dma_start3A_88, %dma_start3A_94] : memref<256x100xi32, #tpu.memory_space<vmem>> -> memref<1x100xi32, #tpu.memory_space<vmem>>
    %dma_start3A_96 = tpu.memref_squeeze %dma_start3A_95 : memref<1x100xi32, #tpu.memory_space<vmem>> -> memref<100xi32, #tpu.memory_space<vmem>>
    %dma_start3A_97 = arith.constant 0 : i32
    %dma_start3A_98 = arith.constant 0 : i32
    %dma_start3A_99 = tpu.memref_slice %arg3[%dma_start3A_97, %dma_start3A_98] : memref<1000000x64xf32, #tpu.memory_space<hbm>> -> memref<1000000x64xf32, #tpu.memory_space<hbm>>
    tpu.enqueue_indirect_dma source(%dma_start3A_99 : memref<1000000x64xf32, #tpu.memory_space<hbm>>) target(%dma_start3A_93 : memref<100x64xf32, #tpu.memory_space<vmem>>) offsets(%dma_start3A_96 : memref<100xi32, #tpu.memory_space<vmem>>) semaphore(%arg11 : memref<!tpu.dma_semaphore, #tpu.memory_space<semaphore_mem>>)
    %scan3A = arith.constant 0 : i32
    %scan3A_100 = arith.constant 5.000000e-03 : f32
    %scan3A_101 = arith.constant 0 : i32
    %scan3A_102 = arith.constant 32 : i32
    %scan3A_103 = arith.addi %scan3A_101, %scan3A_102 : i32
    %scan3A_104 = arith.constant 1 : i32
    scf.for %scan3A_106 = %scan3A_101 to %scan3A_103 step %scan3A_104  : i32 {
      %mul3A_107 = arith.constant 4 : i32
      %mul3A_108 = arith.muli %scan3A_106, %mul3A_107 : i32
      %add3A_109 = arith.constant 0 : i32
      %add3A_110 = arith.addi %mul3A_108, %add3A_109 : i32
      %mul3A_111 = arith.constant 2 : i32
      %mul3A_112 = arith.muli %add3A_110, %mul3A_111 : i32
      %add3A_113 = arith.constant 0 : i32
      %add3A_114 = arith.addi %mul3A_112, %add3A_113 : i32
      %dma_wait3A = arith.constant 0 : i32
      %dma_wait3A_115 = arith.constant 0 : i32
      %dma_wait3A_116 = arith.constant 0 : i32
      %dma_wait3A_117 = tpu.memref_slice %arg6[%dma_wait3A, %dma_wait3A_115, %dma_wait3A_116] : memref<4x200x64xf32, #tpu.memory_space<vmem>> -> memref<1x100x64xf32, #tpu.memory_space<vmem>>
      %dma_wait3A_118 = tpu.memref_squeeze %dma_wait3A_117 : memref<1x100x64xf32, #tpu.memory_space<vmem>> -> memref<100x64xf32, #tpu.memory_space<vmem>>
      %dma_wait3A_119 = arith.constant 0 : i32
      %dma_wait3A_120 = tpu.memref_slice %arg5[%add3A_114, %dma_wait3A_119] : memref<256x100xi32, #tpu.memory_space<vmem>> -> memref<1x100xi32, #tpu.memory_space<vmem>>
      %dma_wait3A_121 = tpu.memref_squeeze %dma_wait3A_120 : memref<1x100xi32, #tpu.memory_space<vmem>> -> memref<100xi32, #tpu.memory_space<vmem>>
      %dma_wait3A_122 = arith.constant 0 : i32
      %dma_wait3A_123 = arith.constant 0 : i32
      %dma_wait3A_124 = tpu.memref_slice %arg3[%dma_wait3A_122, %dma_wait3A_123] : memref<1000000x64xf32, #tpu.memory_space<hbm>> -> memref<1000000x64xf32, #tpu.memory_space<hbm>>
      tpu.wait_indirect_dma semaphore(%arg8 : memref<!tpu.dma_semaphore, #tpu.memory_space<semaphore_mem>>) src(%dma_wait3A_124 : memref<1000000x64xf32, #tpu.memory_space<hbm>>) dst(%dma_wait3A_118 : memref<100x64xf32, #tpu.memory_space<vmem>>)
      %mul3A_125 = arith.constant 2 : i32
      %mul3A_126 = arith.muli %add3A_110, %mul3A_125 : i32
      %add3A_127 = arith.constant 1 : i32
      %add3A_128 = arith.addi %mul3A_126, %add3A_127 : i32
      %dma_wait3A_129 = arith.constant 0 : i32
      %dma_wait3A_130 = arith.constant 100 : i32
      %dma_wait3A_131 = arith.constant 0 : i32
      %dma_wait3A_132 = tpu.memref_slice %arg6[%dma_wait3A_129, %dma_wait3A_130, %dma_wait3A_131] : memref<4x200x64xf32, #tpu.memory_space<vmem>> -> memref<1x100x64xf32, #tpu.memory_space<vmem>>
      %dma_wait3A_133 = tpu.memref_squeeze %dma_wait3A_132 : memref<1x100x64xf32, #tpu.memory_space<vmem>> -> memref<100x64xf32, #tpu.memory_space<vmem>>
      %dma_wait3A_134 = arith.constant 0 : i32
      %dma_wait3A_135 = tpu.memref_slice %arg5[%add3A_128, %dma_wait3A_134] : memref<256x100xi32, #tpu.memory_space<vmem>> -> memref<1x100xi32, #tpu.memory_space<vmem>>
      %dma_wait3A_136 = tpu.memref_squeeze %dma_wait3A_135 : memref<1x100xi32, #tpu.memory_space<vmem>> -> memref<100xi32, #tpu.memory_space<vmem>>
      %dma_wait3A_137 = arith.constant 0 : i32
      %dma_wait3A_138 = arith.constant 0 : i32
      %dma_wait3A_139 = tpu.memref_slice %arg3[%dma_wait3A_137, %dma_wait3A_138] : memref<1000000x64xf32, #tpu.memory_space<hbm>> -> memref<1000000x64xf32, #tpu.memory_space<hbm>>
      tpu.wait_indirect_dma semaphore(%arg8 : memref<!tpu.dma_semaphore, #tpu.memory_space<semaphore_mem>>) src(%dma_wait3A_139 : memref<1000000x64xf32, #tpu.memory_space<hbm>>) dst(%dma_wait3A_133 : memref<100x64xf32, #tpu.memory_space<vmem>>)
      %broadcast_in_dim3A = arith.constant 0.000000e+00 : f32
      %broadcast_in_dim3A_140 = vector.broadcast %broadcast_in_dim3A : f32 to vector<16xf32>
      %broadcast_in_dim3A_141 = arith.constant 0.000000e+00 : f32
      %broadcast_in_dim3A_142 = vector.broadcast %broadcast_in_dim3A_141 : f32 to vector<16xf32>
      %broadcast_in_dim3A_143 = arith.constant 0.000000e+00 : f32
      %broadcast_in_dim3A_144 = vector.broadcast %broadcast_in_dim3A_143 : f32 to vector<16xf32>
      %broadcast_in_dim3A_145 = arith.constant 0.000000e+00 : f32
      %broadcast_in_dim3A_146 = vector.broadcast %broadcast_in_dim3A_145 : f32 to vector<16xf32>
      %scan3A_147 = arith.constant 0 : i32
      %scan3A_148 = arith.constant 200 : i32
      %scan3A_149 = arith.addi %scan3A_147, %scan3A_148 : i32
      %scan3A_150 = arith.constant 8 : i32
      %scan3A_151:4 = scf.for %scan3A_433 = %scan3A_147 to %scan3A_149 step %scan3A_150 iter_args(%scan3A_434 = %broadcast_in_dim3A_140, %scan3A_435 = %broadcast_in_dim3A_142, %scan3A_436 = %broadcast_in_dim3A_144, %scan3A_437 = %broadcast_in_dim3A_146) -> (vector<16xf32>, vector<16xf32>, vector<16xf32>, vector<16xf32>)  : i32 {
        %get3A = arith.constant 0 : i32
        %get3A_438 = arith.index_cast %get3A : i32 to index
        %get3A_439 = arith.index_cast %scan3A_433 : i32 to index
        %get3A_440 = arith.constant 0 : index
        %get3A_441 = tpu.vector_load %arg6[%get3A_438, %get3A_439, %get3A_440] {strides = array<i32>} : memref<4x200x64xf32, #tpu.memory_space<vmem>>, vector<1x1x16xf32>,
        %get3A_442 = vector.shape_cast %get3A_441 : vector<1x1x16xf32> to vector<16xf32>
        %add3A_443 = arith.addf %scan3A_434, %get3A_442 : vector<16xf32>
        %get3A_444 = arith.constant 0 : i32
        %get3A_445 = arith.index_cast %get3A_444 : i32 to index
        %get3A_446 = arith.index_cast %scan3A_433 : i32 to index
        %get3A_447 = arith.constant 16 : index
        %get3A_448 = tpu.vector_load %arg6[%get3A_445, %get3A_446, %get3A_447] {strides = array<i32>} : memref<4x200x64xf32, #tpu.memory_space<vmem>>, vector<1x1x16xf32>,
        %get3A_449 = vector.shape_cast %get3A_448 : vector<1x1x16xf32> to vector<16xf32>
        %add3A_450 = arith.addf %scan3A_435, %get3A_449 : vector<16xf32>
        %get3A_451 = arith.constant 0 : i32
        %get3A_452 = arith.index_cast %get3A_451 : i32 to index
        %get3A_453 = arith.index_cast %scan3A_433 : i32 to index
        %get3A_454 = arith.constant 32 : index
        %get3A_455 = tpu.vector_load %arg6[%get3A_452, %get3A_453, %get3A_454] {strides = array<i32>} : memref<4x200x64xf32, #tpu.memory_space<vmem>>, vector<1x1x16xf32>,
        %get3A_456 = vector.shape_cast %get3A_455 : vector<1x1x16xf32> to vector<16xf32>
        %add3A_457 = arith.addf %scan3A_436, %get3A_456 : vector<16xf32>
        %get3A_458 = arith.constant 0 : i32
        %get3A_459 = arith.index_cast %get3A_458 : i32 to index
        %get3A_460 = arith.index_cast %scan3A_433 : i32 to index
        %get3A_461 = arith.constant 48 : index
        %get3A_462 = tpu.vector_load %arg6[%get3A_459, %get3A_460, %get3A_461] {strides = array<i32>} : memref<4x200x64xf32, #tpu.memory_space<vmem>>, vector<1x1x16xf32>,
        %get3A_463 = vector.shape_cast %get3A_462 : vector<1x1x16xf32> to vector<16xf32>
        %add3A_464 = arith.addf %scan3A_437, %get3A_463 : vector<16xf32>
        %scan3A_465 = arith.constant 1 : i32
        %scan3A_466 = arith.addi %scan3A_433, %scan3A_465 : i32
        %get3A_467 = arith.constant 0 : i32
        %get3A_468 = arith.index_cast %get3A_467 : i32 to index
        %get3A_469 = arith.index_cast %scan3A_466 : i32 to index
        %get3A_470 = arith.constant 0 : index
        %get3A_471 = tpu.vector_load %arg6[%get3A_468, %get3A_469, %get3A_470] {strides = array<i32>} : memref<4x200x64xf32, #tpu.memory_space<vmem>>, vector<1x1x16xf32>,
        %get3A_472 = vector.shape_cast %get3A_471 : vector<1x1x16xf32> to vector<16xf32>
        %add3A_473 = arith.addf %add3A_443, %get3A_472 : vector<16xf32>
        %get3A_474 = arith.constant 0 : i32
        %get3A_475 = arith.index_cast %get3A_474 : i32 to index
        %get3A_476 = arith.index_cast %scan3A_466 : i32 to index
        %get3A_477 = arith.constant 16 : index
        %get3A_478 = tpu.vector_load %arg6[%get3A_475, %get3A_476, %get3A_477] {strides = array<i32>} : memref<4x200x64xf32, #tpu.memory_space<vmem>>, vector<1x1x16xf32>,
        %get3A_479 = vector.shape_cast %get3A_478 : vector<1x1x16xf32> to vector<16xf32>
        %add3A_480 = arith.addf %add3A_450, %get3A_479 : vector<16xf32>
        %get3A_481 = arith.constant 0 : i32
        %get3A_482 = arith.index_cast %get3A_481 : i32 to index
        %get3A_483 = arith.index_cast %scan3A_466 : i32 to index
        %get3A_484 = arith.constant 32 : index
        %get3A_485 = tpu.vector_load %arg6[%get3A_482, %get3A_483, %get3A_484] {strides = array<i32>} : memref<4x200x64xf32, #tpu.memory_space<vmem>>, vector<1x1x16xf32>,
        %get3A_486 = vector.shape_cast %get3A_485 : vector<1x1x16xf32> to vector<16xf32>
        %add3A_487 = arith.addf %add3A_457, %get3A_486 : vector<16xf32>
        %get3A_488 = arith.constant 0 : i32
        %get3A_489 = arith.index_cast %get3A_488 : i32 to index
        %get3A_490 = arith.index_cast %scan3A_466 : i32 to index
        %get3A_491 = arith.constant 48 : index
        %get3A_492 = tpu.vector_load %arg6[%get3A_489, %get3A_490, %get3A_491] {strides = array<i32>} : memref<4x200x64xf32, #tpu.memory_space<vmem>>, vector<1x1x16xf32>,
        %get3A_493 = vector.shape_cast %get3A_492 : vector<1x1x16xf32> to vector<16xf32>
        %add3A_494 = arith.addf %add3A_464, %get3A_493 : vector<16xf32>
        %scan3A_495 = arith.constant 2 : i32
        %scan3A_496 = arith.addi %scan3A_433, %scan3A_495 : i32
        %get3A_497 = arith.constant 0 : i32
        %get3A_498 = arith.index_cast %get3A_497 : i32 to index
        %get3A_499 = arith.index_cast %scan3A_496 : i32 to index
        %get3A_500 = arith.constant 0 : index
        %get3A_501 = tpu.vector_load %arg6[%get3A_498, %get3A_499, %get3A_500] {strides = array<i32>} : memref<4x200x64xf32, #tpu.memory_space<vmem>>, vector<1x1x16xf32>,
        %get3A_502 = vector.shape_cast %get3A_501 : vector<1x1x16xf32> to vector<16xf32>
        %add3A_503 = arith.addf %add3A_473, %get3A_502 : vector<16xf32>
        %get3A_504 = arith.constant 0 : i32
        %get3A_505 = arith.index_cast %get3A_504 : i32 to index
        %get3A_506 = arith.index_cast %scan3A_496 : i32 to index
        %get3A_507 = arith.constant 16 : index
        %get3A_508 = tpu.vector_load %arg6[%get3A_505, %get3A_506, %get3A_507] {strides = array<i32>} : memref<4x200x64xf32, #tpu.memory_space<vmem>>, vector<1x1x16xf32>,
        %get3A_509 = vector.shape_cast %get3A_508 : vector<1x1x16xf32> to vector<16xf32>
        %add3A_510 = arith.addf %add3A_480, %get3A_509 : vector<16xf32>
        %get3A_511 = arith.constant 0 : i32
        %get3A_512 = arith.index_cast %get3A_511 : i32 to index
        %get3A_513 = arith.index_cast %scan3A_496 : i32 to index
        %get3A_514 = arith.constant 32 : index
        %get3A_515 = tpu.vector_load %arg6[%get3A_512, %get3A_513, %get3A_514] {strides = array<i32>} : memref<4x200x64xf32, #tpu.memory_space<vmem>>, vector<1x1x16xf32>,
        %get3A_516 = vector.shape_cast %get3A_515 : vector<1x1x16xf32> to vector<16xf32>
        %add3A_517 = arith.addf %add3A_487, %get3A_516 : vector<16xf32>
        %get3A_518 = arith.constant 0 : i32
        %get3A_519 = arith.index_cast %get3A_518 : i32 to index
        %get3A_520 = arith.index_cast %scan3A_496 : i32 to index
        %get3A_521 = arith.constant 48 : index
        %get3A_522 = tpu.vector_load %arg6[%get3A_519, %get3A_520, %get3A_521] {strides = array<i32>} : memref<4x200x64xf32, #tpu.memory_space<vmem>>, vector<1x1x16xf32>,
        %get3A_523 = vector.shape_cast %get3A_522 : vector<1x1x16xf32> to vector<16xf32>
        %add3A_524 = arith.addf %add3A_494, %get3A_523 : vector<16xf32>
        %scan3A_525 = arith.constant 3 : i32
        %scan3A_526 = arith.addi %scan3A_433, %scan3A_525 : i32
        %get3A_527 = arith.constant 0 : i32
        %get3A_528 = arith.index_cast %get3A_527 : i32 to index
        %get3A_529 = arith.index_cast %scan3A_526 : i32 to index
        %get3A_530 = arith.constant 0 : index
        %get3A_531 = tpu.vector_load %arg6[%get3A_528, %get3A_529, %get3A_530] {strides = array<i32>} : memref<4x200x64xf32, #tpu.memory_space<vmem>>, vector<1x1x16xf32>,
        %get3A_532 = vector.shape_cast %get3A_531 : vector<1x1x16xf32> to vector<16xf32>
        %add3A_533 = arith.addf %add3A_503, %get3A_532 : vector<16xf32>
        %get3A_534 = arith.constant 0 : i32
        %get3A_535 = arith.index_cast %get3A_534 : i32 to index
        %get3A_536 = arith.index_cast %scan3A_526 : i32 to index
        %get3A_537 = arith.constant 16 : index
        %get3A_538 = tpu.vector_load %arg6[%get3A_535, %get3A_536, %get3A_537] {strides = array<i32>} : memref<4x200x64xf32, #tpu.memory_space<vmem>>, vector<1x1x16xf32>,
        %get3A_539 = vector.shape_cast %get3A_538 : vector<1x1x16xf32> to vector<16xf32>
        %add3A_540 = arith.addf %add3A_510, %get3A_539 : vector<16xf32>
        %get3A_541 = arith.constant 0 : i32
        %get3A_542 = arith.index_cast %get3A_541 : i32 to index
        %get3A_543 = arith.index_cast %scan3A_526 : i32 to index
        %get3A_544 = arith.constant 32 : index
        %get3A_545 = tpu.vector_load %arg6[%get3A_542, %get3A_543, %get3A_544] {strides = array<i32>} : memref<4x200x64xf32, #tpu.memory_space<vmem>>, vector<1x1x16xf32>,
        %get3A_546 = vector.shape_cast %get3A_545 : vector<1x1x16xf32> to vector<16xf32>
        %add3A_547 = arith.addf %add3A_517, %get3A_546 : vector<16xf32>
        %get3A_548 = arith.constant 0 : i32
        %get3A_549 = arith.index_cast %get3A_548 : i32 to index
        %get3A_550 = arith.index_cast %scan3A_526 : i32 to index
        %get3A_551 = arith.constant 48 : index
        %get3A_552 = tpu.vector_load %arg6[%get3A_549, %get3A_550, %get3A_551] {strides = array<i32>} : memref<4x200x64xf32, #tpu.memory_space<vmem>>, vector<1x1x16xf32>,
        %get3A_553 = vector.shape_cast %get3A_552 : vector<1x1x16xf32> to vector<16xf32>
        %add3A_554 = arith.addf %add3A_524, %get3A_553 : vector<16xf32>
        %scan3A_555 = arith.constant 4 : i32
        %scan3A_556 = arith.addi %scan3A_433, %scan3A_555 : i32
        %get3A_557 = arith.constant 0 : i32
        %get3A_558 = arith.index_cast %get3A_557 : i32 to index
        %get3A_559 = arith.index_cast %scan3A_556 : i32 to index
        %get3A_560 = arith.constant 0 : index
        %get3A_561 = tpu.vector_load %arg6[%get3A_558, %get3A_559, %get3A_560] {strides = array<i32>} : memref<4x200x64xf32, #tpu.memory_space<vmem>>, vector<1x1x16xf32>,
        %get3A_562 = vector.shape_cast %get3A_561 : vector<1x1x16xf32> to vector<16xf32>
        %add3A_563 = arith.addf %add3A_533, %get3A_562 : vector<16xf32>
        %get3A_564 = arith.constant 0 : i32
        %get3A_565 = arith.index_cast %get3A_564 : i32 to index
        %get3A_566 = arith.index_cast %scan3A_556 : i32 to index
        %get3A_567 = arith.constant 16 : index
        %get3A_568 = tpu.vector_load %arg6[%get3A_565, %get3A_566, %get3A_567] {strides = array<i32>} : memref<4x200x64xf32, #tpu.memory_space<vmem>>, vector<1x1x16xf32>,
        %get3A_569 = vector.shape_cast %get3A_568 : vector<1x1x16xf32> to vector<16xf32>
        %add3A_570 = arith.addf %add3A_540, %get3A_569 : vector<16xf32>
        %get3A_571 = arith.constant 0 : i32
        %get3A_572 = arith.index_cast %get3A_571 : i32 to index
        %get3A_573 = arith.index_cast %scan3A_556 : i32 to index
        %get3A_574 = arith.constant 32 : index
        %get3A_575 = tpu.vector_load %arg6[%get3A_572, %get3A_573, %get3A_574] {strides = array<i32>} : memref<4x200x64xf32, #tpu.memory_space<vmem>>, vector<1x1x16xf32>,
        %get3A_576 = vector.shape_cast %get3A_575 : vector<1x1x16xf32> to vector<16xf32>
        %add3A_577 = arith.addf %add3A_547, %get3A_576 : vector<16xf32>
        %get3A_578 = arith.constant 0 : i32
        %get3A_579 = arith.index_cast %get3A_578 : i32 to index
        %get3A_580 = arith.index_cast %scan3A_556 : i32 to index
        %get3A_581 = arith.constant 48 : index
        %get3A_582 = tpu.vector_load %arg6[%get3A_579, %get3A_580, %get3A_581] {strides = array<i32>} : memref<4x200x64xf32, #tpu.memory_space<vmem>>, vector<1x1x16xf32>,
        %get3A_583 = vector.shape_cast %get3A_582 : vector<1x1x16xf32> to vector<16xf32>
        %add3A_584 = arith.addf %add3A_554, %get3A_583 : vector<16xf32>
        %scan3A_585 = arith.constant 5 : i32
        %scan3A_586 = arith.addi %scan3A_433, %scan3A_585 : i32
        %get3A_587 = arith.constant 0 : i32
        %get3A_588 = arith.index_cast %get3A_587 : i32 to index
        %get3A_589 = arith.index_cast %scan3A_586 : i32 to index
        %get3A_590 = arith.constant 0 : index
        %get3A_591 = tpu.vector_load %arg6[%get3A_588, %get3A_589, %get3A_590] {strides = array<i32>} : memref<4x200x64xf32, #tpu.memory_space<vmem>>, vector<1x1x16xf32>,
        %get3A_592 = vector.shape_cast %get3A_591 : vector<1x1x16xf32> to vector<16xf32>
        %add3A_593 = arith.addf %add3A_563, %get3A_592 : vector<16xf32>
        %get3A_594 = arith.constant 0 : i32
        %get3A_595 = arith.index_cast %get3A_594 : i32 to index
        %get3A_596 = arith.index_cast %scan3A_586 : i32 to index
        %get3A_597 = arith.constant 16 : index
        %get3A_598 = tpu.vector_load %arg6[%get3A_595, %get3A_596, %get3A_597] {strides = array<i32>} : memref<4x200x64xf32, #tpu.memory_space<vmem>>, vector<1x1x16xf32>,
        %get3A_599 = vector.shape_cast %get3A_598 : vector<1x1x16xf32> to vector<16xf32>
        %add3A_600 = arith.addf %add3A_570, %get3A_599 : vector<16xf32>
        %get3A_601 = arith.constant 0 : i32
        %get3A_602 = arith.index_cast %get3A_601 : i32 to index
        %get3A_603 = arith.index_cast %scan3A_586 : i32 to index
        %get3A_604 = arith.constant 32 : index
        %get3A_605 = tpu.vector_load %arg6[%get3A_602, %get3A_603, %get3A_604] {strides = array<i32>} : memref<4x200x64xf32, #tpu.memory_space<vmem>>, vector<1x1x16xf32>,
        %get3A_606 = vector.shape_cast %get3A_605 : vector<1x1x16xf32> to vector<16xf32>
        %add3A_607 = arith.addf %add3A_577, %get3A_606 : vector<16xf32>
        %get3A_608 = arith.constant 0 : i32
        %get3A_609 = arith.index_cast %get3A_608 : i32 to index
        %get3A_610 = arith.index_cast %scan3A_586 : i32 to index
        %get3A_611 = arith.constant 48 : index
        %get3A_612 = tpu.vector_load %arg6[%get3A_609, %get3A_610, %get3A_611] {strides = array<i32>} : memref<4x200x64xf32, #tpu.memory_space<vmem>>, vector<1x1x16xf32>,
        %get3A_613 = vector.shape_cast %get3A_612 : vector<1x1x16xf32> to vector<16xf32>
        %add3A_614 = arith.addf %add3A_584, %get3A_613 : vector<16xf32>
        %scan3A_615 = arith.constant 6 : i32
        %scan3A_616 = arith.addi %scan3A_433, %scan3A_615 : i32
        %get3A_617 = arith.constant 0 : i32
        %get3A_618 = arith.index_cast %get3A_617 : i32 to index
        %get3A_619 = arith.index_cast %scan3A_616 : i32 to index
        %get3A_620 = arith.constant 0 : index
        %get3A_621 = tpu.vector_load %arg6[%get3A_618, %get3A_619, %get3A_620] {strides = array<i32>} : memref<4x200x64xf32, #tpu.memory_space<vmem>>, vector<1x1x16xf32>,
        %get3A_622 = vector.shape_cast %get3A_621 : vector<1x1x16xf32> to vector<16xf32>
        %add3A_623 = arith.addf %add3A_593, %get3A_622 : vector<16xf32>
        %get3A_624 = arith.constant 0 : i32
        %get3A_625 = arith.index_cast %get3A_624 : i32 to index
        %get3A_626 = arith.index_cast %scan3A_616 : i32 to index
        %get3A_627 = arith.constant 16 : index
        %get3A_628 = tpu.vector_load %arg6[%get3A_625, %get3A_626, %get3A_627] {strides = array<i32>} : memref<4x200x64xf32, #tpu.memory_space<vmem>>, vector<1x1x16xf32>,
        %get3A_629 = vector.shape_cast %get3A_628 : vector<1x1x16xf32> to vector<16xf32>
        %add3A_630 = arith.addf %add3A_600, %get3A_629 : vector<16xf32>
        %get3A_631 = arith.constant 0 : i32
        %get3A_632 = arith.index_cast %get3A_631 : i32 to index
        %get3A_633 = arith.index_cast %scan3A_616 : i32 to index
        %get3A_634 = arith.constant 32 : index
        %get3A_635 = tpu.vector_load %arg6[%get3A_632, %get3A_633, %get3A_634] {strides = array<i32>} : memref<4x200x64xf32, #tpu.memory_space<vmem>>, vector<1x1x16xf32>,
        %get3A_636 = vector.shape_cast %get3A_635 : vector<1x1x16xf32> to vector<16xf32>
        %add3A_637 = arith.addf %add3A_607, %get3A_636 : vector<16xf32>
        %get3A_638 = arith.constant 0 : i32
        %get3A_639 = arith.index_cast %get3A_638 : i32 to index
        %get3A_640 = arith.index_cast %scan3A_616 : i32 to index
        %get3A_641 = arith.constant 48 : index
        %get3A_642 = tpu.vector_load %arg6[%get3A_639, %get3A_640, %get3A_641] {strides = array<i32>} : memref<4x200x64xf32, #tpu.memory_space<vmem>>, vector<1x1x16xf32>,
        %get3A_643 = vector.shape_cast %get3A_642 : vector<1x1x16xf32> to vector<16xf32>
        %add3A_644 = arith.addf %add3A_614, %get3A_643 : vector<16xf32>
        %scan3A_645 = arith.constant 7 : i32
        %scan3A_646 = arith.addi %scan3A_433, %scan3A_645 : i32
        %get3A_647 = arith.constant 0 : i32
        %get3A_648 = arith.index_cast %get3A_647 : i32 to index
        %get3A_649 = arith.index_cast %scan3A_646 : i32 to index
        %get3A_650 = arith.constant 0 : index
        %get3A_651 = tpu.vector_load %arg6[%get3A_648, %get3A_649, %get3A_650] {strides = array<i32>} : memref<4x200x64xf32, #tpu.memory_space<vmem>>, vector<1x1x16xf32>,
        %get3A_652 = vector.shape_cast %get3A_651 : vector<1x1x16xf32> to vector<16xf32>
        %add3A_653 = arith.addf %add3A_623, %get3A_652 : vector<16xf32>
        %get3A_654 = arith.constant 0 : i32
        %get3A_655 = arith.index_cast %get3A_654 : i32 to index
        %get3A_656 = arith.index_cast %scan3A_646 : i32 to index
        %get3A_657 = arith.constant 16 : index
        %get3A_658 = tpu.vector_load %arg6[%get3A_655, %get3A_656, %get3A_657] {strides = array<i32>} : memref<4x200x64xf32, #tpu.memory_space<vmem>>, vector<1x1x16xf32>,
        %get3A_659 = vector.shape_cast %get3A_658 : vector<1x1x16xf32> to vector<16xf32>
        %add3A_660 = arith.addf %add3A_630, %get3A_659 : vector<16xf32>
        %get3A_661 = arith.constant 0 : i32
        %get3A_662 = arith.index_cast %get3A_661 : i32 to index
        %get3A_663 = arith.index_cast %scan3A_646 : i32 to index
        %get3A_664 = arith.constant 32 : index
        %get3A_665 = tpu.vector_load %arg6[%get3A_662, %get3A_663, %get3A_664] {strides = array<i32>} : memref<4x200x64xf32, #tpu.memory_space<vmem>>, vector<1x1x16xf32>,
        %get3A_666 = vector.shape_cast %get3A_665 : vector<1x1x16xf32> to vector<16xf32>
        %add3A_667 = arith.addf %add3A_637, %get3A_666 : vector<16xf32>
        %get3A_668 = arith.constant 0 : i32
        %get3A_669 = arith.index_cast %get3A_668 : i32 to index
        %get3A_670 = arith.index_cast %scan3A_646 : i32 to index
        %get3A_671 = arith.constant 48 : index
        %get3A_672 = tpu.vector_load %arg6[%get3A_669, %get3A_670, %get3A_671] {strides = array<i32>} : memref<4x200x64xf32, #tpu.memory_space<vmem>>, vector<1x1x16xf32>,
        %get3A_673 = vector.shape_cast %get3A_672 : vector<1x1x16xf32> to vector<16xf32>
        %add3A_674 = arith.addf %add3A_644, %get3A_673 : vector<16xf32>
        scf.yield %add3A_653, %add3A_660, %add3A_667, %add3A_674 : vector<16xf32>, vector<16xf32>, vector<16xf32>, vector<16xf32>
      }
      %scan3A_152 = arith.constant 200 : i32
      %mul3A_153 = vector.broadcast %scan3A_100 : f32 to vector<16xf32>
      %mul3A_154 = arith.mulf %scan3A_151#0, %mul3A_153 : vector<16xf32>
      %swap3A = arith.index_cast %add3A_110 : i32 to index
      %swap3A_155 = arith.constant 0 : index
      %swap3A_156 = tpu.vector_load %arg7[%swap3A, %swap3A_155] {strides = array<i32>} : memref<128x64xf32, #tpu.memory_space<vmem>>, vector<1x16xf32>,
      %swap3A_157 = vector.shape_cast %swap3A_156 : vector<1x16xf32> to vector<16xf32>
      %swap3A_158 = vector.shape_cast %mul3A_154 : vector<16xf32> to vector<1x16xf32>
      tpu.vector_store %arg7[%swap3A, %swap3A_155], %swap3A_158 {strides = array<i32>} : memref<128x64xf32, #tpu.memory_space<vmem>>, vector<1x16xf32>,
      %mul3A_159 = vector.broadcast %scan3A_100 : f32 to vector<16xf32>
      %mul3A_160 = arith.mulf %scan3A_151#1, %mul3A_159 : vector<16xf32>
      %swap3A_161 = arith.index_cast %add3A_110 : i32 to index
      %swap3A_162 = arith.constant 16 : index
      %swap3A_163 = tpu.vector_load %arg7[%swap3A_161, %swap3A_162] {strides = array<i32>} : memref<128x64xf32, #tpu.memory_space<vmem>>, vector<1x16xf32>,
      %swap3A_164 = vector.shape_cast %swap3A_163 : vector<1x16xf32> to vector<16xf32>
      %swap3A_165 = vector.shape_cast %mul3A_160 : vector<16xf32> to vector<1x16xf32>
      tpu.vector_store %arg7[%swap3A_161, %swap3A_162], %swap3A_165 {strides = array<i32>} : memref<128x64xf32, #tpu.memory_space<vmem>>, vector<1x16xf32>,
      %mul3A_166 = vector.broadcast %scan3A_100 : f32 to vector<16xf32>
      %mul3A_167 = arith.mulf %scan3A_151#2, %mul3A_166 : vector<16xf32>
      %swap3A_168 = arith.index_cast %add3A_110 : i32 to index
      %swap3A_169 = arith.constant 32 : index
      %swap3A_170 = tpu.vector_load %arg7[%swap3A_168, %swap3A_169] {strides = array<i32>} : memref<128x64xf32, #tpu.memory_space<vmem>>, vector<1x16xf32>,
      %swap3A_171 = vector.shape_cast %swap3A_170 : vector<1x16xf32> to vector<16xf32>
      %swap3A_172 = vector.shape_cast %mul3A_167 : vector<16xf32> to vector<1x16xf32>
      tpu.vector_store %arg7[%swap3A_168, %swap3A_169], %swap3A_172 {strides = array<i32>} : memref<128x64xf32, #tpu.memory_space<vmem>>, vector<1x16xf32>,
      %mul3A_173 = vector.broadcast %scan3A_100 : f32 to vector<16xf32>
      %mul3A_174 = arith.mulf %scan3A_151#3, %mul3A_173 : vector<16xf32>
      %swap3A_175 = arith.index_cast %add3A_110 : i32 to index
      %swap3A_176 = arith.constant 48 : index
      %swap3A_177 = tpu.vector_load %arg7[%swap3A_175, %swap3A_176] {strides = array<i32>} : memref<128x64xf32, #tpu.memory_space<vmem>>, vector<1x16xf32>,
      %swap3A_178 = vector.shape_cast %swap3A_177 : vector<1x16xf32> to vector<16xf32>
      %swap3A_179 = vector.shape_cast %mul3A_174 : vector<16xf32> to vector<1x16xf32>
      tpu.vector_store %arg7[%swap3A_175, %swap3A_176], %swap3A_179 {strides = array<i32>} : memref<128x64xf32, #tpu.memory_space<vmem>>, vector<1x16xf32>,
      %add3A_180 = arith.constant 4 : i32
      %add3A_181 = arith.addi %add3A_110, %add3A_180 : i32
      %lt3A = arith.constant 128 : i32
      %lt3A_182 = arith.cmpi slt, %add3A_181, %lt3A : i32
      %convert_element_type3A = arith.extui %lt3A_182 : i1 to i32
      %cond3A = arith.constant 0 : i32
      %cond3A_183 = arith.cmpi ne, %convert_element_type3A, %cond3A : i32
      scf.if %cond3A_183 {
        %add3A_433 = arith.constant 4 : i32
        %add3A_434 = arith.addi %add3A_110, %add3A_433 : i32
        %mul3A_435 = arith.constant 2 : i32
        %mul3A_436 = arith.muli %add3A_434, %mul3A_435 : i32
        %add3A_437 = arith.constant 0 : i32
        %add3A_438 = arith.addi %mul3A_436, %add3A_437 : i32
        %dma_start3A_439 = arith.constant 0 : i32
        %dma_start3A_440 = arith.constant 0 : i32
        %dma_start3A_441 = arith.constant 0 : i32
        %dma_start3A_442 = tpu.memref_slice %arg6[%dma_start3A_439, %dma_start3A_440, %dma_start3A_441] : memref<4x200x64xf32, #tpu.memory_space<vmem>> -> memref<1x100x64xf32, #tpu.memory_space<vmem>>
        %dma_start3A_443 = tpu.memref_squeeze %dma_start3A_442 : memref<1x100x64xf32, #tpu.memory_space<vmem>> -> memref<100x64xf32, #tpu.memory_space<vmem>>
        %dma_start3A_444 = arith.constant 0 : i32
        %dma_start3A_445 = tpu.memref_slice %arg5[%add3A_438, %dma_start3A_444] : memref<256x100xi32, #tpu.memory_space<vmem>> -> memref<1x100xi32, #tpu.memory_space<vmem>>
        %dma_start3A_446 = tpu.memref_squeeze %dma_start3A_445 : memref<1x100xi32, #tpu.memory_space<vmem>> -> memref<100xi32, #tpu.memory_space<vmem>>
        %dma_start3A_447 = arith.constant 0 : i32
        %dma_start3A_448 = arith.constant 0 : i32
        %dma_start3A_449 = tpu.memref_slice %arg3[%dma_start3A_447, %dma_start3A_448] : memref<1000000x64xf32, #tpu.memory_space<hbm>> -> memref<1000000x64xf32, #tpu.memory_space<hbm>>
        tpu.enqueue_indirect_dma source(%dma_start3A_449 : memref<1000000x64xf32, #tpu.memory_space<hbm>>) target(%dma_start3A_443 : memref<100x64xf32, #tpu.memory_space<vmem>>) offsets(%dma_start3A_446 : memref<100xi32, #tpu.memory_space<vmem>>) semaphore(%arg8 : memref<!tpu.dma_semaphore, #tpu.memory_space<semaphore_mem>>)
        %mul3A_450 = arith.constant 2 : i32
        %mul3A_451 = arith.muli %add3A_434, %mul3A_450 : i32
        %add3A_452 = arith.constant 1 : i32
        %add3A_453 = arith.addi %mul3A_451, %add3A_452 : i32
        %dma_start3A_454 = arith.constant 0 : i32
        %dma_start3A_455 = arith.constant 100 : i32
        %dma_start3A_456 = arith.constant 0 : i32
        %dma_start3A_457 = tpu.memref_slice %arg6[%dma_start3A_454, %dma_start3A_455, %dma_start3A_456] : memref<4x200x64xf32, #tpu.memory_space<vmem>> -> memref<1x100x64xf32, #tpu.memory_space<vmem>>
        %dma_start3A_458 = tpu.memref_squeeze %dma_start3A_457 : memref<1x100x64xf32, #tpu.memory_space<vmem>> -> memref<100x64xf32, #tpu.memory_space<vmem>>
        %dma_start3A_459 = arith.constant 0 : i32
        %dma_start3A_460 = tpu.memref_slice %arg5[%add3A_453, %dma_start3A_459] : memref<256x100xi32, #tpu.memory_space<vmem>> -> memref<1x100xi32, #tpu.memory_space<vmem>>
        %dma_start3A_461 = tpu.memref_squeeze %dma_start3A_460 : memref<1x100xi32, #tpu.memory_space<vmem>> -> memref<100xi32, #tpu.memory_space<vmem>>
        %dma_start3A_462 = arith.constant 0 : i32
        %dma_start3A_463 = arith.constant 0 : i32
        %dma_start3A_464 = tpu.memref_slice %arg3[%dma_start3A_462, %dma_start3A_463] : memref<1000000x64xf32, #tpu.memory_space<hbm>> -> memref<1000000x64xf32, #tpu.memory_space<hbm>>
        tpu.enqueue_indirect_dma source(%dma_start3A_464 : memref<1000000x64xf32, #tpu.memory_space<hbm>>) target(%dma_start3A_458 : memref<100x64xf32, #tpu.memory_space<vmem>>) offsets(%dma_start3A_461 : memref<100xi32, #tpu.memory_space<vmem>>) semaphore(%arg8 : memref<!tpu.dma_semaphore, #tpu.memory_space<semaphore_mem>>)
      } else {
      }
      %mul3A_184 = arith.constant 4 : i32
      %mul3A_185 = arith.muli %scan3A_106, %mul3A_184 : i32
      %add3A_186 = arith.constant 1 : i32
      %add3A_187 = arith.addi %mul3A_185, %add3A_186 : i32
      %mul3A_188 = arith.constant 2 : i32
      %mul3A_189 = arith.muli %add3A_187, %mul3A_188 : i32
      %add3A_190 = arith.constant 0 : i32
      %add3A_191 = arith.addi %mul3A_189, %add3A_190 : i32
      %dma_wait3A_192 = arith.constant 1 : i32
      %dma_wait3A_193 = arith.constant 0 : i32
      %dma_wait3A_194 = arith.constant 0 : i32
      %dma_wait3A_195 = tpu.memref_slice %arg6[%dma_wait3A_192, %dma_wait3A_193, %dma_wait3A_194] : memref<4x200x64xf32, #tpu.memory_space<vmem>> -> memref<1x100x64xf32, #tpu.memory_space<vmem>>
      %dma_wait3A_196 = tpu.memref_squeeze %dma_wait3A_195 : memref<1x100x64xf32, #tpu.memory_space<vmem>> -> memref<100x64xf32, #tpu.memory_space<vmem>>
      %dma_wait3A_197 = arith.constant 0 : i32
      %dma_wait3A_198 = tpu.memref_slice %arg5[%add3A_191, %dma_wait3A_197] : memref<256x100xi32, #tpu.memory_space<vmem>> -> memref<1x100xi32, #tpu.memory_space<vmem>>
      %dma_wait3A_199 = tpu.memref_squeeze %dma_wait3A_198 : memref<1x100xi32, #tpu.memory_space<vmem>> -> memref<100xi32, #tpu.memory_space<vmem>>
      %dma_wait3A_200 = arith.constant 0 : i32
      %dma_wait3A_201 = arith.constant 0 : i32
      %dma_wait3A_202 = tpu.memref_slice %arg3[%dma_wait3A_200, %dma_wait3A_201] : memref<1000000x64xf32, #tpu.memory_space<hbm>> -> memref<1000000x64xf32, #tpu.memory_space<hbm>>
      tpu.wait_indirect_dma semaphore(%arg9 : memref<!tpu.dma_semaphore, #tpu.memory_space<semaphore_mem>>) src(%dma_wait3A_202 : memref<1000000x64xf32, #tpu.memory_space<hbm>>) dst(%dma_wait3A_196 : memref<100x64xf32, #tpu.memory_space<vmem>>)
      %mul3A_203 = arith.constant 2 : i32
      %mul3A_204 = arith.muli %add3A_187, %mul3A_203 : i32
      %add3A_205 = arith.constant 1 : i32
      %add3A_206 = arith.addi %mul3A_204, %add3A_205 : i32
      %dma_wait3A_207 = arith.constant 1 : i32
      %dma_wait3A_208 = arith.constant 100 : i32
      %dma_wait3A_209 = arith.constant 0 : i32
      %dma_wait3A_210 = tpu.memref_slice %arg6[%dma_wait3A_207, %dma_wait3A_208, %dma_wait3A_209] : memref<4x200x64xf32, #tpu.memory_space<vmem>> -> memref<1x100x64xf32, #tpu.memory_space<vmem>>
      %dma_wait3A_211 = tpu.memref_squeeze %dma_wait3A_210 : memref<1x100x64xf32, #tpu.memory_space<vmem>> -> memref<100x64xf32, #tpu.memory_space<vmem>>
      %dma_wait3A_212 = arith.constant 0 : i32
      %dma_wait3A_213 = tpu.memref_slice %arg5[%add3A_206, %dma_wait3A_212] : memref<256x100xi32, #tpu.memory_space<vmem>> -> memref<1x100xi32, #tpu.memory_space<vmem>>
      %dma_wait3A_214 = tpu.memref_squeeze %dma_wait3A_213 : memref<1x100xi32, #tpu.memory_space<vmem>> -> memref<100xi32, #tpu.memory_space<vmem>>
      %dma_wait3A_215 = arith.constant 0 : i32
      %dma_wait3A_216 = arith.constant 0 : i32
      %dma_wait3A_217 = tpu.memref_slice %arg3[%dma_wait3A_215, %dma_wait3A_216] : memref<1000000x64xf32, #tpu.memory_space<hbm>> -> memref<1000000x64xf32, #tpu.memory_space<hbm>>
      tpu.wait_indirect_dma semaphore(%arg9 : memref<!tpu.dma_semaphore, #tpu.memory_space<semaphore_mem>>) src(%dma_wait3A_217 : memref<1000000x64xf32, #tpu.memory_space<hbm>>) dst(%dma_wait3A_211 : memref<100x64xf32, #tpu.memory_space<vmem>>)
      %broadcast_in_dim3A_218 = arith.constant 0.000000e+00 : f32
      %broadcast_in_dim3A_219 = vector.broadcast %broadcast_in_dim3A_218 : f32 to vector<16xf32>
      %broadcast_in_dim3A_220 = arith.constant 0.000000e+00 : f32
      %broadcast_in_dim3A_221 = vector.broadcast %broadcast_in_dim3A_220 : f32 to vector<16xf32>
      %broadcast_in_dim3A_222 = arith.constant 0.000000e+00 : f32
      %broadcast_in_dim3A_223 = vector.broadcast %broadcast_in_dim3A_222 : f32 to vector<16xf32>
      %broadcast_in_dim3A_224 = arith.constant 0.000000e+00 : f32
      %broadcast_in_dim3A_225 = vector.broadcast %broadcast_in_dim3A_224 : f32 to vector<16xf32>
      %scan3A_226 = arith.constant 0 : i32
      %scan3A_227 = arith.constant 200 : i32
      %scan3A_228 = arith.addi %scan3A_226, %scan3A_227 : i32
      %scan3A_229 = arith.constant 8 : i32
      %scan3A_230:4 = scf.for %scan3A_433 = %scan3A_226 to %scan3A_228 step %scan3A_229 iter_args(%scan3A_434 = %broadcast_in_dim3A_219, %scan3A_435 = %broadcast_in_dim3A_221, %scan3A_436 = %broadcast_in_dim3A_223, %scan3A_437 = %broadcast_in_dim3A_225) -> (vector<16xf32>, vector<16xf32>, vector<16xf32>, vector<16xf32>)  : i32 {
        %get3A = arith.constant 1 : i32
        %get3A_438 = arith.index_cast %get3A : i32 to index
        %get3A_439 = arith.index_cast %scan3A_433 : i32 to index
        %get3A_440 = arith.constant 0 : index
        %get3A_441 = tpu.vector_load %arg6[%get3A_438, %get3A_439, %get3A_440] {strides = array<i32>} : memref<4x200x64xf32, #tpu.memory_space<vmem>>, vector<1x1x16xf32>,
        %get3A_442 = vector.shape_cast %get3A_441 : vector<1x1x16xf32> to vector<16xf32>
        %add3A_443 = arith.addf %scan3A_434, %get3A_442 : vector<16xf32>
        %get3A_444 = arith.constant 1 : i32
        %get3A_445 = arith.index_cast %get3A_444 : i32 to index
        %get3A_446 = arith.index_cast %scan3A_433 : i32 to index
        %get3A_447 = arith.constant 16 : index
        %get3A_448 = tpu.vector_load %arg6[%get3A_445, %get3A_446, %get3A_447] {strides = array<i32>} : memref<4x200x64xf32, #tpu.memory_space<vmem>>, vector<1x1x16xf32>,
        %get3A_449 = vector.shape_cast %get3A_448 : vector<1x1x16xf32> to vector<16xf32>
        %add3A_450 = arith.addf %scan3A_435, %get3A_449 : vector<16xf32>
        %get3A_451 = arith.constant 1 : i32
        %get3A_452 = arith.index_cast %get3A_451 : i32 to index
        %get3A_453 = arith.index_cast %scan3A_433 : i32 to index
        %get3A_454 = arith.constant 32 : index
        %get3A_455 = tpu.vector_load %arg6[%get3A_452, %get3A_453, %get3A_454] {strides = array<i32>} : memref<4x200x64xf32, #tpu.memory_space<vmem>>, vector<1x1x16xf32>,
        %get3A_456 = vector.shape_cast %get3A_455 : vector<1x1x16xf32> to vector<16xf32>
        %add3A_457 = arith.addf %scan3A_436, %get3A_456 : vector<16xf32>
        %get3A_458 = arith.constant 1 : i32
        %get3A_459 = arith.index_cast %get3A_458 : i32 to index
        %get3A_460 = arith.index_cast %scan3A_433 : i32 to index
        %get3A_461 = arith.constant 48 : index
        %get3A_462 = tpu.vector_load %arg6[%get3A_459, %get3A_460, %get3A_461] {strides = array<i32>} : memref<4x200x64xf32, #tpu.memory_space<vmem>>, vector<1x1x16xf32>,
        %get3A_463 = vector.shape_cast %get3A_462 : vector<1x1x16xf32> to vector<16xf32>
        %add3A_464 = arith.addf %scan3A_437, %get3A_463 : vector<16xf32>
        %scan3A_465 = arith.constant 1 : i32
        %scan3A_466 = arith.addi %scan3A_433, %scan3A_465 : i32
        %get3A_467 = arith.constant 1 : i32
        %get3A_468 = arith.index_cast %get3A_467 : i32 to index
        %get3A_469 = arith.index_cast %scan3A_466 : i32 to index
        %get3A_470 = arith.constant 0 : index
        %get3A_471 = tpu.vector_load %arg6[%get3A_468, %get3A_469, %get3A_470] {strides = array<i32>} : memref<4x200x64xf32, #tpu.memory_space<vmem>>, vector<1x1x16xf32>,
        %get3A_472 = vector.shape_cast %get3A_471 : vector<1x1x16xf32> to vector<16xf32>
        %add3A_473 = arith.addf %add3A_443, %get3A_472 : vector<16xf32>
        %get3A_474 = arith.constant 1 : i32
        %get3A_475 = arith.index_cast %get3A_474 : i32 to index
        %get3A_476 = arith.index_cast %scan3A_466 : i32 to index
        %get3A_477 = arith.constant 16 : index
        %get3A_478 = tpu.vector_load %arg6[%get3A_475, %get3A_476, %get3A_477] {strides = array<i32>} : memref<4x200x64xf32, #tpu.memory_space<vmem>>, vector<1x1x16xf32>,
        %get3A_479 = vector.shape_cast %get3A_478 : vector<1x1x16xf32> to vector<16xf32>
        %add3A_480 = arith.addf %add3A_450, %get3A_479 : vector<16xf32>
        %get3A_481 = arith.constant 1 : i32
        %get3A_482 = arith.index_cast %get3A_481 : i32 to index
        %get3A_483 = arith.index_cast %scan3A_466 : i32 to index
        %get3A_484 = arith.constant 32 : index
        %get3A_485 = tpu.vector_load %arg6[%get3A_482, %get3A_483, %get3A_484] {strides = array<i32>} : memref<4x200x64xf32, #tpu.memory_space<vmem>>, vector<1x1x16xf32>,
        %get3A_486 = vector.shape_cast %get3A_485 : vector<1x1x16xf32> to vector<16xf32>
        %add3A_487 = arith.addf %add3A_457, %get3A_486 : vector<16xf32>
        %get3A_488 = arith.constant 1 : i32
        %get3A_489 = arith.index_cast %get3A_488 : i32 to index
        %get3A_490 = arith.index_cast %scan3A_466 : i32 to index
        %get3A_491 = arith.constant 48 : index
        %get3A_492 = tpu.vector_load %arg6[%get3A_489, %get3A_490, %get3A_491] {strides = array<i32>} : memref<4x200x64xf32, #tpu.memory_space<vmem>>, vector<1x1x16xf32>,
        %get3A_493 = vector.shape_cast %get3A_492 : vector<1x1x16xf32> to vector<16xf32>
        %add3A_494 = arith.addf %add3A_464, %get3A_493 : vector<16xf32>
        %scan3A_495 = arith.constant 2 : i32
        %scan3A_496 = arith.addi %scan3A_433, %scan3A_495 : i32
        %get3A_497 = arith.constant 1 : i32
        %get3A_498 = arith.index_cast %get3A_497 : i32 to index
        %get3A_499 = arith.index_cast %scan3A_496 : i32 to index
        %get3A_500 = arith.constant 0 : index
        %get3A_501 = tpu.vector_load %arg6[%get3A_498, %get3A_499, %get3A_500] {strides = array<i32>} : memref<4x200x64xf32, #tpu.memory_space<vmem>>, vector<1x1x16xf32>,
        %get3A_502 = vector.shape_cast %get3A_501 : vector<1x1x16xf32> to vector<16xf32>
        %add3A_503 = arith.addf %add3A_473, %get3A_502 : vector<16xf32>
        %get3A_504 = arith.constant 1 : i32
        %get3A_505 = arith.index_cast %get3A_504 : i32 to index
        %get3A_506 = arith.index_cast %scan3A_496 : i32 to index
        %get3A_507 = arith.constant 16 : index
        %get3A_508 = tpu.vector_load %arg6[%get3A_505, %get3A_506, %get3A_507] {strides = array<i32>} : memref<4x200x64xf32, #tpu.memory_space<vmem>>, vector<1x1x16xf32>,
        %get3A_509 = vector.shape_cast %get3A_508 : vector<1x1x16xf32> to vector<16xf32>
        %add3A_510 = arith.addf %add3A_480, %get3A_509 : vector<16xf32>
        %get3A_511 = arith.constant 1 : i32
        %get3A_512 = arith.index_cast %get3A_511 : i32 to index
        %get3A_513 = arith.index_cast %scan3A_496 : i32 to index
        %get3A_514 = arith.constant 32 : index
        %get3A_515 = tpu.vector_load %arg6[%get3A_512, %get3A_513, %get3A_514] {strides = array<i32>} : memref<4x200x64xf32, #tpu.memory_space<vmem>>, vector<1x1x16xf32>,
        %get3A_516 = vector.shape_cast %get3A_515 : vector<1x1x16xf32> to vector<16xf32>
        %add3A_517 = arith.addf %add3A_487, %get3A_516 : vector<16xf32>
        %get3A_518 = arith.constant 1 : i32
        %get3A_519 = arith.index_cast %get3A_518 : i32 to index
        %get3A_520 = arith.index_cast %scan3A_496 : i32 to index
        %get3A_521 = arith.constant 48 : index
        %get3A_522 = tpu.vector_load %arg6[%get3A_519, %get3A_520, %get3A_521] {strides = array<i32>} : memref<4x200x64xf32, #tpu.memory_space<vmem>>, vector<1x1x16xf32>,
        %get3A_523 = vector.shape_cast %get3A_522 : vector<1x1x16xf32> to vector<16xf32>
        %add3A_524 = arith.addf %add3A_494, %get3A_523 : vector<16xf32>
        %scan3A_525 = arith.constant 3 : i32
        %scan3A_526 = arith.addi %scan3A_433, %scan3A_525 : i32
        %get3A_527 = arith.constant 1 : i32
        %get3A_528 = arith.index_cast %get3A_527 : i32 to index
        %get3A_529 = arith.index_cast %scan3A_526 : i32 to index
        %get3A_530 = arith.constant 0 : index
        %get3A_531 = tpu.vector_load %arg6[%get3A_528, %get3A_529, %get3A_530] {strides = array<i32>} : memref<4x200x64xf32, #tpu.memory_space<vmem>>, vector<1x1x16xf32>,
        %get3A_532 = vector.shape_cast %get3A_531 : vector<1x1x16xf32> to vector<16xf32>
        %add3A_533 = arith.addf %add3A_503, %get3A_532 : vector<16xf32>
        %get3A_534 = arith.constant 1 : i32
        %get3A_535 = arith.index_cast %get3A_534 : i32 to index
        %get3A_536 = arith.index_cast %scan3A_526 : i32 to index
        %get3A_537 = arith.constant 16 : index
        %get3A_538 = tpu.vector_load %arg6[%get3A_535, %get3A_536, %get3A_537] {strides = array<i32>} : memref<4x200x64xf32, #tpu.memory_space<vmem>>, vector<1x1x16xf32>,
        %get3A_539 = vector.shape_cast %get3A_538 : vector<1x1x16xf32> to vector<16xf32>
        %add3A_540 = arith.addf %add3A_510, %get3A_539 : vector<16xf32>
        %get3A_541 = arith.constant 1 : i32
        %get3A_542 = arith.index_cast %get3A_541 : i32 to index
        %get3A_543 = arith.index_cast %scan3A_526 : i32 to index
        %get3A_544 = arith.constant 32 : index
        %get3A_545 = tpu.vector_load %arg6[%get3A_542, %get3A_543, %get3A_544] {strides = array<i32>} : memref<4x200x64xf32, #tpu.memory_space<vmem>>, vector<1x1x16xf32>,
        %get3A_546 = vector.shape_cast %get3A_545 : vector<1x1x16xf32> to vector<16xf32>
        %add3A_547 = arith.addf %add3A_517, %get3A_546 : vector<16xf32>
        %get3A_548 = arith.constant 1 : i32
        %get3A_549 = arith.index_cast %get3A_548 : i32 to index
        %get3A_550 = arith.index_cast %scan3A_526 : i32 to index
        %get3A_551 = arith.constant 48 : index
        %get3A_552 = tpu.vector_load %arg6[%get3A_549, %get3A_550, %get3A_551] {strides = array<i32>} : memref<4x200x64xf32, #tpu.memory_space<vmem>>, vector<1x1x16xf32>,
        %get3A_553 = vector.shape_cast %get3A_552 : vector<1x1x16xf32> to vector<16xf32>
        %add3A_554 = arith.addf %add3A_524, %get3A_553 : vector<16xf32>
        %scan3A_555 = arith.constant 4 : i32
        %scan3A_556 = arith.addi %scan3A_433, %scan3A_555 : i32
        %get3A_557 = arith.constant 1 : i32
        %get3A_558 = arith.index_cast %get3A_557 : i32 to index
        %get3A_559 = arith.index_cast %scan3A_556 : i32 to index
        %get3A_560 = arith.constant 0 : index
        %get3A_561 = tpu.vector_load %arg6[%get3A_558, %get3A_559, %get3A_560] {strides = array<i32>} : memref<4x200x64xf32, #tpu.memory_space<vmem>>, vector<1x1x16xf32>,
        %get3A_562 = vector.shape_cast %get3A_561 : vector<1x1x16xf32> to vector<16xf32>
        %add3A_563 = arith.addf %add3A_533, %get3A_562 : vector<16xf32>
        %get3A_564 = arith.constant 1 : i32
        %get3A_565 = arith.index_cast %get3A_564 : i32 to index
        %get3A_566 = arith.index_cast %scan3A_556 : i32 to index
        %get3A_567 = arith.constant 16 : index
        %get3A_568 = tpu.vector_load %arg6[%get3A_565, %get3A_566, %get3A_567] {strides = array<i32>} : memref<4x200x64xf32, #tpu.memory_space<vmem>>, vector<1x1x16xf32>,
        %get3A_569 = vector.shape_cast %get3A_568 : vector<1x1x16xf32> to vector<16xf32>
        %add3A_570 = arith.addf %add3A_540, %get3A_569 : vector<16xf32>
        %get3A_571 = arith.constant 1 : i32
        %get3A_572 = arith.index_cast %get3A_571 : i32 to index
        %get3A_573 = arith.index_cast %scan3A_556 : i32 to index
        %get3A_574 = arith.constant 32 : index
        %get3A_575 = tpu.vector_load %arg6[%get3A_572, %get3A_573, %get3A_574] {strides = array<i32>} : memref<4x200x64xf32, #tpu.memory_space<vmem>>, vector<1x1x16xf32>,
        %get3A_576 = vector.shape_cast %get3A_575 : vector<1x1x16xf32> to vector<16xf32>
        %add3A_577 = arith.addf %add3A_547, %get3A_576 : vector<16xf32>
        %get3A_578 = arith.constant 1 : i32
        %get3A_579 = arith.index_cast %get3A_578 : i32 to index
        %get3A_580 = arith.index_cast %scan3A_556 : i32 to index
        %get3A_581 = arith.constant 48 : index
        %get3A_582 = tpu.vector_load %arg6[%get3A_579, %get3A_580, %get3A_581] {strides = array<i32>} : memref<4x200x64xf32, #tpu.memory_space<vmem>>, vector<1x1x16xf32>,
        %get3A_583 = vector.shape_cast %get3A_582 : vector<1x1x16xf32> to vector<16xf32>
        %add3A_584 = arith.addf %add3A_554, %get3A_583 : vector<16xf32>
        %scan3A_585 = arith.constant 5 : i32
        %scan3A_586 = arith.addi %scan3A_433, %scan3A_585 : i32
        %get3A_587 = arith.constant 1 : i32
        %get3A_588 = arith.index_cast %get3A_587 : i32 to index
        %get3A_589 = arith.index_cast %scan3A_586 : i32 to index
        %get3A_590 = arith.constant 0 : index
        %get3A_591 = tpu.vector_load %arg6[%get3A_588, %get3A_589, %get3A_590] {strides = array<i32>} : memref<4x200x64xf32, #tpu.memory_space<vmem>>, vector<1x1x16xf32>,
        %get3A_592 = vector.shape_cast %get3A_591 : vector<1x1x16xf32> to vector<16xf32>
        %add3A_593 = arith.addf %add3A_563, %get3A_592 : vector<16xf32>
        %get3A_594 = arith.constant 1 : i32
        %get3A_595 = arith.index_cast %get3A_594 : i32 to index
        %get3A_596 = arith.index_cast %scan3A_586 : i32 to index
        %get3A_597 = arith.constant 16 : index
        %get3A_598 = tpu.vector_load %arg6[%get3A_595, %get3A_596, %get3A_597] {strides = array<i32>} : memref<4x200x64xf32, #tpu.memory_space<vmem>>, vector<1x1x16xf32>,
        %get3A_599 = vector.shape_cast %get3A_598 : vector<1x1x16xf32> to vector<16xf32>
        %add3A_600 = arith.addf %add3A_570, %get3A_599 : vector<16xf32>
        %get3A_601 = arith.constant 1 : i32
        %get3A_602 = arith.index_cast %get3A_601 : i32 to index
        %get3A_603 = arith.index_cast %scan3A_586 : i32 to index
        %get3A_604 = arith.constant 32 : index
        %get3A_605 = tpu.vector_load %arg6[%get3A_602, %get3A_603, %get3A_604] {strides = array<i32>} : memref<4x200x64xf32, #tpu.memory_space<vmem>>, vector<1x1x16xf32>,
        %get3A_606 = vector.shape_cast %get3A_605 : vector<1x1x16xf32> to vector<16xf32>
        %add3A_607 = arith.addf %add3A_577, %get3A_606 : vector<16xf32>
        %get3A_608 = arith.constant 1 : i32
        %get3A_609 = arith.index_cast %get3A_608 : i32 to index
        %get3A_610 = arith.index_cast %scan3A_586 : i32 to index
        %get3A_611 = arith.constant 48 : index
        %get3A_612 = tpu.vector_load %arg6[%get3A_609, %get3A_610, %get3A_611] {strides = array<i32>} : memref<4x200x64xf32, #tpu.memory_space<vmem>>, vector<1x1x16xf32>,
        %get3A_613 = vector.shape_cast %get3A_612 : vector<1x1x16xf32> to vector<16xf32>
        %add3A_614 = arith.addf %add3A_584, %get3A_613 : vector<16xf32>
        %scan3A_615 = arith.constant 6 : i32
        %scan3A_616 = arith.addi %scan3A_433, %scan3A_615 : i32
        %get3A_617 = arith.constant 1 : i32
        %get3A_618 = arith.index_cast %get3A_617 : i32 to index
        %get3A_619 = arith.index_cast %scan3A_616 : i32 to index
        %get3A_620 = arith.constant 0 : index
        %get3A_621 = tpu.vector_load %arg6[%get3A_618, %get3A_619, %get3A_620] {strides = array<i32>} : memref<4x200x64xf32, #tpu.memory_space<vmem>>, vector<1x1x16xf32>,
        %get3A_622 = vector.shape_cast %get3A_621 : vector<1x1x16xf32> to vector<16xf32>
        %add3A_623 = arith.addf %add3A_593, %get3A_622 : vector<16xf32>
        %get3A_624 = arith.constant 1 : i32
        %get3A_625 = arith.index_cast %get3A_624 : i32 to index
        %get3A_626 = arith.index_cast %scan3A_616 : i32 to index
        %get3A_627 = arith.constant 16 : index
        %get3A_628 = tpu.vector_load %arg6[%get3A_625, %get3A_626, %get3A_627] {strides = array<i32>} : memref<4x200x64xf32, #tpu.memory_space<vmem>>, vector<1x1x16xf32>,
        %get3A_629 = vector.shape_cast %get3A_628 : vector<1x1x16xf32> to vector<16xf32>
        %add3A_630 = arith.addf %add3A_600, %get3A_629 : vector<16xf32>
        %get3A_631 = arith.constant 1 : i32
        %get3A_632 = arith.index_cast %get3A_631 : i32 to index
        %get3A_633 = arith.index_cast %scan3A_616 : i32 to index
        %get3A_634 = arith.constant 32 : index
        %get3A_635 = tpu.vector_load %arg6[%get3A_632, %get3A_633, %get3A_634] {strides = array<i32>} : memref<4x200x64xf32, #tpu.memory_space<vmem>>, vector<1x1x16xf32>,
        %get3A_636 = vector.shape_cast %get3A_635 : vector<1x1x16xf32> to vector<16xf32>
        %add3A_637 = arith.addf %add3A_607, %get3A_636 : vector<16xf32>
        %get3A_638 = arith.constant 1 : i32
        %get3A_639 = arith.index_cast %get3A_638 : i32 to index
        %get3A_640 = arith.index_cast %scan3A_616 : i32 to index
        %get3A_641 = arith.constant 48 : index
        %get3A_642 = tpu.vector_load %arg6[%get3A_639, %get3A_640, %get3A_641] {strides = array<i32>} : memref<4x200x64xf32, #tpu.memory_space<vmem>>, vector<1x1x16xf32>,
        %get3A_643 = vector.shape_cast %get3A_642 : vector<1x1x16xf32> to vector<16xf32>
        %add3A_644 = arith.addf %add3A_614, %get3A_643 : vector<16xf32>
        %scan3A_645 = arith.constant 7 : i32
        %scan3A_646 = arith.addi %scan3A_433, %scan3A_645 : i32
        %get3A_647 = arith.constant 1 : i32
        %get3A_648 = arith.index_cast %get3A_647 : i32 to index
        %get3A_649 = arith.index_cast %scan3A_646 : i32 to index
        %get3A_650 = arith.constant 0 : index
        %get3A_651 = tpu.vector_load %arg6[%get3A_648, %get3A_649, %get3A_650] {strides = array<i32>} : memref<4x200x64xf32, #tpu.memory_space<vmem>>, vector<1x1x16xf32>,
        %get3A_652 = vector.shape_cast %get3A_651 : vector<1x1x16xf32> to vector<16xf32>
        %add3A_653 = arith.addf %add3A_623, %get3A_652 : vector<16xf32>
        %get3A_654 = arith.constant 1 : i32
        %get3A_655 = arith.index_cast %get3A_654 : i32 to index
        %get3A_656 = arith.index_cast %scan3A_646 : i32 to index
        %get3A_657 = arith.constant 16 : index
        %get3A_658 = tpu.vector_load %arg6[%get3A_655, %get3A_656, %get3A_657] {strides = array<i32>} : memref<4x200x64xf32, #tpu.memory_space<vmem>>, vector<1x1x16xf32>,
        %get3A_659 = vector.shape_cast %get3A_658 : vector<1x1x16xf32> to vector<16xf32>
        %add3A_660 = arith.addf %add3A_630, %get3A_659 : vector<16xf32>
        %get3A_661 = arith.constant 1 : i32
        %get3A_662 = arith.index_cast %get3A_661 : i32 to index
        %get3A_663 = arith.index_cast %scan3A_646 : i32 to index
        %get3A_664 = arith.constant 32 : index
        %get3A_665 = tpu.vector_load %arg6[%get3A_662, %get3A_663, %get3A_664] {strides = array<i32>} : memref<4x200x64xf32, #tpu.memory_space<vmem>>, vector<1x1x16xf32>,
        %get3A_666 = vector.shape_cast %get3A_665 : vector<1x1x16xf32> to vector<16xf32>
        %add3A_667 = arith.addf %add3A_637, %get3A_666 : vector<16xf32>
        %get3A_668 = arith.constant 1 : i32
        %get3A_669 = arith.index_cast %get3A_668 : i32 to index
        %get3A_670 = arith.index_cast %scan3A_646 : i32 to index
        %get3A_671 = arith.constant 48 : index
        %get3A_672 = tpu.vector_load %arg6[%get3A_669, %get3A_670, %get3A_671] {strides = array<i32>} : memref<4x200x64xf32, #tpu.memory_space<vmem>>, vector<1x1x16xf32>,
        %get3A_673 = vector.shape_cast %get3A_672 : vector<1x1x16xf32> to vector<16xf32>
        %add3A_674 = arith.addf %add3A_644, %get3A_673 : vector<16xf32>
        scf.yield %add3A_653, %add3A_660, %add3A_667, %add3A_674 : vector<16xf32>, vector<16xf32>, vector<16xf32>, vector<16xf32>
      }
      %scan3A_231 = arith.constant 200 : i32
      %mul3A_232 = vector.broadcast %scan3A_100 : f32 to vector<16xf32>
      %mul3A_233 = arith.mulf %scan3A_230#0, %mul3A_232 : vector<16xf32>
      %swap3A_234 = arith.index_cast %add3A_187 : i32 to index
      %swap3A_235 = arith.constant 0 : index
      %swap3A_236 = tpu.vector_load %arg7[%swap3A_234, %swap3A_235] {strides = array<i32>} : memref<128x64xf32, #tpu.memory_space<vmem>>, vector<1x16xf32>,
      %swap3A_237 = vector.shape_cast %swap3A_236 : vector<1x16xf32> to vector<16xf32>
      %swap3A_238 = vector.shape_cast %mul3A_233 : vector<16xf32> to vector<1x16xf32>
      tpu.vector_store %arg7[%swap3A_234, %swap3A_235], %swap3A_238 {strides = array<i32>} : memref<128x64xf32, #tpu.memory_space<vmem>>, vector<1x16xf32>,
      %mul3A_239 = vector.broadcast %scan3A_100 : f32 to vector<16xf32>
      %mul3A_240 = arith.mulf %scan3A_230#1, %mul3A_239 : vector<16xf32>
      %swap3A_241 = arith.index_cast %add3A_187 : i32 to index
      %swap3A_242 = arith.constant 16 : index
      %swap3A_243 = tpu.vector_load %arg7[%swap3A_241, %swap3A_242] {strides = array<i32>} : memref<128x64xf32, #tpu.memory_space<vmem>>, vector<1x16xf32>,
      %swap3A_244 = vector.shape_cast %swap3A_243 : vector<1x16xf32> to vector<16xf32>
      %swap3A_245 = vector.shape_cast %mul3A_240 : vector<16xf32> to vector<1x16xf32>
      tpu.vector_store %arg7[%swap3A_241, %swap3A_242], %swap3A_245 {strides = array<i32>} : memref<128x64xf32, #tpu.memory_space<vmem>>, vector<1x16xf32>,
      %mul3A_246 = vector.broadcast %scan3A_100 : f32 to vector<16xf32>
      %mul3A_247 = arith.mulf %scan3A_230#2, %mul3A_246 : vector<16xf32>
      %swap3A_248 = arith.index_cast %add3A_187 : i32 to index
      %swap3A_249 = arith.constant 32 : index
      %swap3A_250 = tpu.vector_load %arg7[%swap3A_248, %swap3A_249] {strides = array<i32>} : memref<128x64xf32, #tpu.memory_space<vmem>>, vector<1x16xf32>,
      %swap3A_251 = vector.shape_cast %swap3A_250 : vector<1x16xf32> to vector<16xf32>
      %swap3A_252 = vector.shape_cast %mul3A_247 : vector<16xf32> to vector<1x16xf32>
      tpu.vector_store %arg7[%swap3A_248, %swap3A_249], %swap3A_252 {strides = array<i32>} : memref<128x64xf32, #tpu.memory_space<vmem>>, vector<1x16xf32>,
      %mul3A_253 = vector.broadcast %scan3A_100 : f32 to vector<16xf32>
      %mul3A_254 = arith.mulf %scan3A_230#3, %mul3A_253 : vector<16xf32>
      %swap3A_255 = arith.index_cast %add3A_187 : i32 to index
      %swap3A_256 = arith.constant 48 : index
      %swap3A_257 = tpu.vector_load %arg7[%swap3A_255, %swap3A_256] {strides = array<i32>} : memref<128x64xf32, #tpu.memory_space<vmem>>, vector<1x16xf32>,
      %swap3A_258 = vector.shape_cast %swap3A_257 : vector<1x16xf32> to vector<16xf32>
      %swap3A_259 = vector.shape_cast %mul3A_254 : vector<16xf32> to vector<1x16xf32>
      tpu.vector_store %arg7[%swap3A_255, %swap3A_256], %swap3A_259 {strides = array<i32>} : memref<128x64xf32, #tpu.memory_space<vmem>>, vector<1x16xf32>,
      %add3A_260 = arith.constant 4 : i32
      %add3A_261 = arith.addi %add3A_187, %add3A_260 : i32
      %lt3A_262 = arith.constant 128 : i32
      %lt3A_263 = arith.cmpi slt, %add3A_261, %lt3A_262 : i32
      %convert_element_type3A_264 = arith.extui %lt3A_263 : i1 to i32
      %cond3A_265 = arith.constant 0 : i32
      %cond3A_266 = arith.cmpi ne, %convert_element_type3A_264, %cond3A_265 : i32
      scf.if %cond3A_266 {
        %add3A_433 = arith.constant 4 : i32
        %add3A_434 = arith.addi %add3A_187, %add3A_433 : i32
        %mul3A_435 = arith.constant 2 : i32
        %mul3A_436 = arith.muli %add3A_434, %mul3A_435 : i32
        %add3A_437 = arith.constant 0 : i32
        %add3A_438 = arith.addi %mul3A_436, %add3A_437 : i32
        %dma_start3A_439 = arith.constant 1 : i32
        %dma_start3A_440 = arith.constant 0 : i32
        %dma_start3A_441 = arith.constant 0 : i32
        %dma_start3A_442 = tpu.memref_slice %arg6[%dma_start3A_439, %dma_start3A_440, %dma_start3A_441] : memref<4x200x64xf32, #tpu.memory_space<vmem>> -> memref<1x100x64xf32, #tpu.memory_space<vmem>>
        %dma_start3A_443 = tpu.memref_squeeze %dma_start3A_442 : memref<1x100x64xf32, #tpu.memory_space<vmem>> -> memref<100x64xf32, #tpu.memory_space<vmem>>
        %dma_start3A_444 = arith.constant 0 : i32
        %dma_start3A_445 = tpu.memref_slice %arg5[%add3A_438, %dma_start3A_444] : memref<256x100xi32, #tpu.memory_space<vmem>> -> memref<1x100xi32, #tpu.memory_space<vmem>>
        %dma_start3A_446 = tpu.memref_squeeze %dma_start3A_445 : memref<1x100xi32, #tpu.memory_space<vmem>> -> memref<100xi32, #tpu.memory_space<vmem>>
        %dma_start3A_447 = arith.constant 0 : i32
        %dma_start3A_448 = arith.constant 0 : i32
        %dma_start3A_449 = tpu.memref_slice %arg3[%dma_start3A_447, %dma_start3A_448] : memref<1000000x64xf32, #tpu.memory_space<hbm>> -> memref<1000000x64xf32, #tpu.memory_space<hbm>>
        tpu.enqueue_indirect_dma source(%dma_start3A_449 : memref<1000000x64xf32, #tpu.memory_space<hbm>>) target(%dma_start3A_443 : memref<100x64xf32, #tpu.memory_space<vmem>>) offsets(%dma_start3A_446 : memref<100xi32, #tpu.memory_space<vmem>>) semaphore(%arg9 : memref<!tpu.dma_semaphore, #tpu.memory_space<semaphore_mem>>)
        %mul3A_450 = arith.constant 2 : i32
        %mul3A_451 = arith.muli %add3A_434, %mul3A_450 : i32
        %add3A_452 = arith.constant 1 : i32
        %add3A_453 = arith.addi %mul3A_451, %add3A_452 : i32
        %dma_start3A_454 = arith.constant 1 : i32
        %dma_start3A_455 = arith.constant 100 : i32
        %dma_start3A_456 = arith.constant 0 : i32
        %dma_start3A_457 = tpu.memref_slice %arg6[%dma_start3A_454, %dma_start3A_455, %dma_start3A_456] : memref<4x200x64xf32, #tpu.memory_space<vmem>> -> memref<1x100x64xf32, #tpu.memory_space<vmem>>
        %dma_start3A_458 = tpu.memref_squeeze %dma_start3A_457 : memref<1x100x64xf32, #tpu.memory_space<vmem>> -> memref<100x64xf32, #tpu.memory_space<vmem>>
        %dma_start3A_459 = arith.constant 0 : i32
        %dma_start3A_460 = tpu.memref_slice %arg5[%add3A_453, %dma_start3A_459] : memref<256x100xi32, #tpu.memory_space<vmem>> -> memref<1x100xi32, #tpu.memory_space<vmem>>
        %dma_start3A_461 = tpu.memref_squeeze %dma_start3A_460 : memref<1x100xi32, #tpu.memory_space<vmem>> -> memref<100xi32, #tpu.memory_space<vmem>>
        %dma_start3A_462 = arith.constant 0 : i32
        %dma_start3A_463 = arith.constant 0 : i32
        %dma_start3A_464 = tpu.memref_slice %arg3[%dma_start3A_462, %dma_start3A_463] : memref<1000000x64xf32, #tpu.memory_space<hbm>> -> memref<1000000x64xf32, #tpu.memory_space<hbm>>
        tpu.enqueue_indirect_dma source(%dma_start3A_464 : memref<1000000x64xf32, #tpu.memory_space<hbm>>) target(%dma_start3A_458 : memref<100x64xf32, #tpu.memory_space<vmem>>) offsets(%dma_start3A_461 : memref<100xi32, #tpu.memory_space<vmem>>) semaphore(%arg9 : memref<!tpu.dma_semaphore, #tpu.memory_space<semaphore_mem>>)
      } else {
      }
      %mul3A_267 = arith.constant 4 : i32
      %mul3A_268 = arith.muli %scan3A_106, %mul3A_267 : i32
      %add3A_269 = arith.constant 2 : i32
      %add3A_270 = arith.addi %mul3A_268, %add3A_269 : i32
      %mul3A_271 = arith.constant 2 : i32
      %mul3A_272 = arith.muli %add3A_270, %mul3A_271 : i32
      %add3A_273 = arith.constant 0 : i32
      %add3A_274 = arith.addi %mul3A_272, %add3A_273 : i32
      %dma_wait3A_275 = arith.constant 2 : i32
      %dma_wait3A_276 = arith.constant 0 : i32
      %dma_wait3A_277 = arith.constant 0 : i32
      %dma_wait3A_278 = tpu.memref_slice %arg6[%dma_wait3A_275, %dma_wait3A_276, %dma_wait3A_277] : memref<4x200x64xf32, #tpu.memory_space<vmem>> -> memref<1x100x64xf32, #tpu.memory_space<vmem>>
      %dma_wait3A_279 = tpu.memref_squeeze %dma_wait3A_278 : memref<1x100x64xf32, #tpu.memory_space<vmem>> -> memref<100x64xf32, #tpu.memory_space<vmem>>
      %dma_wait3A_280 = arith.constant 0 : i32
      %dma_wait3A_281 = tpu.memref_slice %arg5[%add3A_274, %dma_wait3A_280] : memref<256x100xi32, #tpu.memory_space<vmem>> -> memref<1x100xi32, #tpu.memory_space<vmem>>
      %dma_wait3A_282 = tpu.memref_squeeze %dma_wait3A_281 : memref<1x100xi32, #tpu.memory_space<vmem>> -> memref<100xi32, #tpu.memory_space<vmem>>
      %dma_wait3A_283 = arith.constant 0 : i32
      %dma_wait3A_284 = arith.constant 0 : i32
      %dma_wait3A_285 = tpu.memref_slice %arg3[%dma_wait3A_283, %dma_wait3A_284] : memref<1000000x64xf32, #tpu.memory_space<hbm>> -> memref<1000000x64xf32, #tpu.memory_space<hbm>>
      tpu.wait_indirect_dma semaphore(%arg10 : memref<!tpu.dma_semaphore, #tpu.memory_space<semaphore_mem>>) src(%dma_wait3A_285 : memref<1000000x64xf32, #tpu.memory_space<hbm>>) dst(%dma_wait3A_279 : memref<100x64xf32, #tpu.memory_space<vmem>>)
      %mul3A_286 = arith.constant 2 : i32
      %mul3A_287 = arith.muli %add3A_270, %mul3A_286 : i32
      %add3A_288 = arith.constant 1 : i32
      %add3A_289 = arith.addi %mul3A_287, %add3A_288 : i32
      %dma_wait3A_290 = arith.constant 2 : i32
      %dma_wait3A_291 = arith.constant 100 : i32
      %dma_wait3A_292 = arith.constant 0 : i32
      %dma_wait3A_293 = tpu.memref_slice %arg6[%dma_wait3A_290, %dma_wait3A_291, %dma_wait3A_292] : memref<4x200x64xf32, #tpu.memory_space<vmem>> -> memref<1x100x64xf32, #tpu.memory_space<vmem>>
      %dma_wait3A_294 = tpu.memref_squeeze %dma_wait3A_293 : memref<1x100x64xf32, #tpu.memory_space<vmem>> -> memref<100x64xf32, #tpu.memory_space<vmem>>
      %dma_wait3A_295 = arith.constant 0 : i32
      %dma_wait3A_296 = tpu.memref_slice %arg5[%add3A_289, %dma_wait3A_295] : memref<256x100xi32, #tpu.memory_space<vmem>> -> memref<1x100xi32, #tpu.memory_space<vmem>>
      %dma_wait3A_297 = tpu.memref_squeeze %dma_wait3A_296 : memref<1x100xi32, #tpu.memory_space<vmem>> -> memref<100xi32, #tpu.memory_space<vmem>>
      %dma_wait3A_298 = arith.constant 0 : i32
      %dma_wait3A_299 = arith.constant 0 : i32
      %dma_wait3A_300 = tpu.memref_slice %arg3[%dma_wait3A_298, %dma_wait3A_299] : memref<1000000x64xf32, #tpu.memory_space<hbm>> -> memref<1000000x64xf32, #tpu.memory_space<hbm>>
      tpu.wait_indirect_dma semaphore(%arg10 : memref<!tpu.dma_semaphore, #tpu.memory_space<semaphore_mem>>) src(%dma_wait3A_300 : memref<1000000x64xf32, #tpu.memory_space<hbm>>) dst(%dma_wait3A_294 : memref<100x64xf32, #tpu.memory_space<vmem>>)
      %broadcast_in_dim3A_301 = arith.constant 0.000000e+00 : f32
      %broadcast_in_dim3A_302 = vector.broadcast %broadcast_in_dim3A_301 : f32 to vector<16xf32>
      %broadcast_in_dim3A_303 = arith.constant 0.000000e+00 : f32
      %broadcast_in_dim3A_304 = vector.broadcast %broadcast_in_dim3A_303 : f32 to vector<16xf32>
      %broadcast_in_dim3A_305 = arith.constant 0.000000e+00 : f32
      %broadcast_in_dim3A_306 = vector.broadcast %broadcast_in_dim3A_305 : f32 to vector<16xf32>
      %broadcast_in_dim3A_307 = arith.constant 0.000000e+00 : f32
      %broadcast_in_dim3A_308 = vector.broadcast %broadcast_in_dim3A_307 : f32 to vector<16xf32>
      %scan3A_309 = arith.constant 0 : i32
      %scan3A_310 = arith.constant 200 : i32
      %scan3A_311 = arith.addi %scan3A_309, %scan3A_310 : i32
      %scan3A_312 = arith.constant 8 : i32
      %scan3A_313:4 = scf.for %scan3A_433 = %scan3A_309 to %scan3A_311 step %scan3A_312 iter_args(%scan3A_434 = %broadcast_in_dim3A_302, %scan3A_435 = %broadcast_in_dim3A_304, %scan3A_436 = %broadcast_in_dim3A_306, %scan3A_437 = %broadcast_in_dim3A_308) -> (vector<16xf32>, vector<16xf32>, vector<16xf32>, vector<16xf32>)  : i32 {
        %get3A = arith.constant 2 : i32
        %get3A_438 = arith.index_cast %get3A : i32 to index
        %get3A_439 = arith.index_cast %scan3A_433 : i32 to index
        %get3A_440 = arith.constant 0 : index
        %get3A_441 = tpu.vector_load %arg6[%get3A_438, %get3A_439, %get3A_440] {strides = array<i32>} : memref<4x200x64xf32, #tpu.memory_space<vmem>>, vector<1x1x16xf32>,
        %get3A_442 = vector.shape_cast %get3A_441 : vector<1x1x16xf32> to vector<16xf32>
        %add3A_443 = arith.addf %scan3A_434, %get3A_442 : vector<16xf32>
        %get3A_444 = arith.constant 2 : i32
        %get3A_445 = arith.index_cast %get3A_444 : i32 to index
        %get3A_446 = arith.index_cast %scan3A_433 : i32 to index
        %get3A_447 = arith.constant 16 : index
        %get3A_448 = tpu.vector_load %arg6[%get3A_445, %get3A_446, %get3A_447] {strides = array<i32>} : memref<4x200x64xf32, #tpu.memory_space<vmem>>, vector<1x1x16xf32>,
        %get3A_449 = vector.shape_cast %get3A_448 : vector<1x1x16xf32> to vector<16xf32>
        %add3A_450 = arith.addf %scan3A_435, %get3A_449 : vector<16xf32>
        %get3A_451 = arith.constant 2 : i32
        %get3A_452 = arith.index_cast %get3A_451 : i32 to index
        %get3A_453 = arith.index_cast %scan3A_433 : i32 to index
        %get3A_454 = arith.constant 32 : index
        %get3A_455 = tpu.vector_load %arg6[%get3A_452, %get3A_453, %get3A_454] {strides = array<i32>} : memref<4x200x64xf32, #tpu.memory_space<vmem>>, vector<1x1x16xf32>,
        %get3A_456 = vector.shape_cast %get3A_455 : vector<1x1x16xf32> to vector<16xf32>
        %add3A_457 = arith.addf %scan3A_436, %get3A_456 : vector<16xf32>
        %get3A_458 = arith.constant 2 : i32
        %get3A_459 = arith.index_cast %get3A_458 : i32 to index
        %get3A_460 = arith.index_cast %scan3A_433 : i32 to index
        %get3A_461 = arith.constant 48 : index
        %get3A_462 = tpu.vector_load %arg6[%get3A_459, %get3A_460, %get3A_461] {strides = array<i32>} : memref<4x200x64xf32, #tpu.memory_space<vmem>>, vector<1x1x16xf32>,
        %get3A_463 = vector.shape_cast %get3A_462 : vector<1x1x16xf32> to vector<16xf32>
        %add3A_464 = arith.addf %scan3A_437, %get3A_463 : vector<16xf32>
        %scan3A_465 = arith.constant 1 : i32
        %scan3A_466 = arith.addi %scan3A_433, %scan3A_465 : i32
        %get3A_467 = arith.constant 2 : i32
        %get3A_468 = arith.index_cast %get3A_467 : i32 to index
        %get3A_469 = arith.index_cast %scan3A_466 : i32 to index
        %get3A_470 = arith.constant 0 : index
        %get3A_471 = tpu.vector_load %arg6[%get3A_468, %get3A_469, %get3A_470] {strides = array<i32>} : memref<4x200x64xf32, #tpu.memory_space<vmem>>, vector<1x1x16xf32>,
        %get3A_472 = vector.shape_cast %get3A_471 : vector<1x1x16xf32> to vector<16xf32>
        %add3A_473 = arith.addf %add3A_443, %get3A_472 : vector<16xf32>
        %get3A_474 = arith.constant 2 : i32
        %get3A_475 = arith.index_cast %get3A_474 : i32 to index
        %get3A_476 = arith.index_cast %scan3A_466 : i32 to index
        %get3A_477 = arith.constant 16 : index
        %get3A_478 = tpu.vector_load %arg6[%get3A_475, %get3A_476, %get3A_477] {strides = array<i32>} : memref<4x200x64xf32, #tpu.memory_space<vmem>>, vector<1x1x16xf32>,
        %get3A_479 = vector.shape_cast %get3A_478 : vector<1x1x16xf32> to vector<16xf32>
        %add3A_480 = arith.addf %add3A_450, %get3A_479 : vector<16xf32>
        %get3A_481 = arith.constant 2 : i32
        %get3A_482 = arith.index_cast %get3A_481 : i32 to index
        %get3A_483 = arith.index_cast %scan3A_466 : i32 to index
        %get3A_484 = arith.constant 32 : index
        %get3A_485 = tpu.vector_load %arg6[%get3A_482, %get3A_483, %get3A_484] {strides = array<i32>} : memref<4x200x64xf32, #tpu.memory_space<vmem>>, vector<1x1x16xf32>,
        %get3A_486 = vector.shape_cast %get3A_485 : vector<1x1x16xf32> to vector<16xf32>
        %add3A_487 = arith.addf %add3A_457, %get3A_486 : vector<16xf32>
        %get3A_488 = arith.constant 2 : i32
        %get3A_489 = arith.index_cast %get3A_488 : i32 to index
        %get3A_490 = arith.index_cast %scan3A_466 : i32 to index
        %get3A_491 = arith.constant 48 : index
        %get3A_492 = tpu.vector_load %arg6[%get3A_489, %get3A_490, %get3A_491] {strides = array<i32>} : memref<4x200x64xf32, #tpu.memory_space<vmem>>, vector<1x1x16xf32>,
        %get3A_493 = vector.shape_cast %get3A_492 : vector<1x1x16xf32> to vector<16xf32>
        %add3A_494 = arith.addf %add3A_464, %get3A_493 : vector<16xf32>
        %scan3A_495 = arith.constant 2 : i32
        %scan3A_496 = arith.addi %scan3A_433, %scan3A_495 : i32
        %get3A_497 = arith.constant 2 : i32
        %get3A_498 = arith.index_cast %get3A_497 : i32 to index
        %get3A_499 = arith.index_cast %scan3A_496 : i32 to index
        %get3A_500 = arith.constant 0 : index
        %get3A_501 = tpu.vector_load %arg6[%get3A_498, %get3A_499, %get3A_500] {strides = array<i32>} : memref<4x200x64xf32, #tpu.memory_space<vmem>>, vector<1x1x16xf32>,
        %get3A_502 = vector.shape_cast %get3A_501 : vector<1x1x16xf32> to vector<16xf32>
        %add3A_503 = arith.addf %add3A_473, %get3A_502 : vector<16xf32>
        %get3A_504 = arith.constant 2 : i32
        %get3A_505 = arith.index_cast %get3A_504 : i32 to index
        %get3A_506 = arith.index_cast %scan3A_496 : i32 to index
        %get3A_507 = arith.constant 16 : index
        %get3A_508 = tpu.vector_load %arg6[%get3A_505, %get3A_506, %get3A_507] {strides = array<i32>} : memref<4x200x64xf32, #tpu.memory_space<vmem>>, vector<1x1x16xf32>,
        %get3A_509 = vector.shape_cast %get3A_508 : vector<1x1x16xf32> to vector<16xf32>
        %add3A_510 = arith.addf %add3A_480, %get3A_509 : vector<16xf32>
        %get3A_511 = arith.constant 2 : i32
        %get3A_512 = arith.index_cast %get3A_511 : i32 to index
        %get3A_513 = arith.index_cast %scan3A_496 : i32 to index
        %get3A_514 = arith.constant 32 : index
        %get3A_515 = tpu.vector_load %arg6[%get3A_512, %get3A_513, %get3A_514] {strides = array<i32>} : memref<4x200x64xf32, #tpu.memory_space<vmem>>, vector<1x1x16xf32>,
        %get3A_516 = vector.shape_cast %get3A_515 : vector<1x1x16xf32> to vector<16xf32>
        %add3A_517 = arith.addf %add3A_487, %get3A_516 : vector<16xf32>
        %get3A_518 = arith.constant 2 : i32
        %get3A_519 = arith.index_cast %get3A_518 : i32 to index
        %get3A_520 = arith.index_cast %scan3A_496 : i32 to index
        %get3A_521 = arith.constant 48 : index
        %get3A_522 = tpu.vector_load %arg6[%get3A_519, %get3A_520, %get3A_521] {strides = array<i32>} : memref<4x200x64xf32, #tpu.memory_space<vmem>>, vector<1x1x16xf32>,
        %get3A_523 = vector.shape_cast %get3A_522 : vector<1x1x16xf32> to vector<16xf32>
        %add3A_524 = arith.addf %add3A_494, %get3A_523 : vector<16xf32>
        %scan3A_525 = arith.constant 3 : i32
        %scan3A_526 = arith.addi %scan3A_433, %scan3A_525 : i32
        %get3A_527 = arith.constant 2 : i32
        %get3A_528 = arith.index_cast %get3A_527 : i32 to index
        %get3A_529 = arith.index_cast %scan3A_526 : i32 to index
        %get3A_530 = arith.constant 0 : index
        %get3A_531 = tpu.vector_load %arg6[%get3A_528, %get3A_529, %get3A_530] {strides = array<i32>} : memref<4x200x64xf32, #tpu.memory_space<vmem>>, vector<1x1x16xf32>,
        %get3A_532 = vector.shape_cast %get3A_531 : vector<1x1x16xf32> to vector<16xf32>
        %add3A_533 = arith.addf %add3A_503, %get3A_532 : vector<16xf32>
        %get3A_534 = arith.constant 2 : i32
        %get3A_535 = arith.index_cast %get3A_534 : i32 to index
        %get3A_536 = arith.index_cast %scan3A_526 : i32 to index
        %get3A_537 = arith.constant 16 : index
        %get3A_538 = tpu.vector_load %arg6[%get3A_535, %get3A_536, %get3A_537] {strides = array<i32>} : memref<4x200x64xf32, #tpu.memory_space<vmem>>, vector<1x1x16xf32>,
        %get3A_539 = vector.shape_cast %get3A_538 : vector<1x1x16xf32> to vector<16xf32>
        %add3A_540 = arith.addf %add3A_510, %get3A_539 : vector<16xf32>
        %get3A_541 = arith.constant 2 : i32
        %get3A_542 = arith.index_cast %get3A_541 : i32 to index
        %get3A_543 = arith.index_cast %scan3A_526 : i32 to index
        %get3A_544 = arith.constant 32 : index
        %get3A_545 = tpu.vector_load %arg6[%get3A_542, %get3A_543, %get3A_544] {strides = array<i32>} : memref<4x200x64xf32, #tpu.memory_space<vmem>>, vector<1x1x16xf32>,
        %get3A_546 = vector.shape_cast %get3A_545 : vector<1x1x16xf32> to vector<16xf32>
        %add3A_547 = arith.addf %add3A_517, %get3A_546 : vector<16xf32>
        %get3A_548 = arith.constant 2 : i32
        %get3A_549 = arith.index_cast %get3A_548 : i32 to index
        %get3A_550 = arith.index_cast %scan3A_526 : i32 to index
        %get3A_551 = arith.constant 48 : index
        %get3A_552 = tpu.vector_load %arg6[%get3A_549, %get3A_550, %get3A_551] {strides = array<i32>} : memref<4x200x64xf32, #tpu.memory_space<vmem>>, vector<1x1x16xf32>,
        %get3A_553 = vector.shape_cast %get3A_552 : vector<1x1x16xf32> to vector<16xf32>
        %add3A_554 = arith.addf %add3A_524, %get3A_553 : vector<16xf32>
        %scan3A_555 = arith.constant 4 : i32
        %scan3A_556 = arith.addi %scan3A_433, %scan3A_555 : i32
        %get3A_557 = arith.constant 2 : i32
        %get3A_558 = arith.index_cast %get3A_557 : i32 to index
        %get3A_559 = arith.index_cast %scan3A_556 : i32 to index
        %get3A_560 = arith.constant 0 : index
        %get3A_561 = tpu.vector_load %arg6[%get3A_558, %get3A_559, %get3A_560] {strides = array<i32>} : memref<4x200x64xf32, #tpu.memory_space<vmem>>, vector<1x1x16xf32>,
        %get3A_562 = vector.shape_cast %get3A_561 : vector<1x1x16xf32> to vector<16xf32>
        %add3A_563 = arith.addf %add3A_533, %get3A_562 : vector<16xf32>
        %get3A_564 = arith.constant 2 : i32
        %get3A_565 = arith.index_cast %get3A_564 : i32 to index
        %get3A_566 = arith.index_cast %scan3A_556 : i32 to index
        %get3A_567 = arith.constant 16 : index
        %get3A_568 = tpu.vector_load %arg6[%get3A_565, %get3A_566, %get3A_567] {strides = array<i32>} : memref<4x200x64xf32, #tpu.memory_space<vmem>>, vector<1x1x16xf32>,
        %get3A_569 = vector.shape_cast %get3A_568 : vector<1x1x16xf32> to vector<16xf32>
        %add3A_570 = arith.addf %add3A_540, %get3A_569 : vector<16xf32>
        %get3A_571 = arith.constant 2 : i32
        %get3A_572 = arith.index_cast %get3A_571 : i32 to index
        %get3A_573 = arith.index_cast %scan3A_556 : i32 to index
        %get3A_574 = arith.constant 32 : index
        %get3A_575 = tpu.vector_load %arg6[%get3A_572, %get3A_573, %get3A_574] {strides = array<i32>} : memref<4x200x64xf32, #tpu.memory_space<vmem>>, vector<1x1x16xf32>,
        %get3A_576 = vector.shape_cast %get3A_575 : vector<1x1x16xf32> to vector<16xf32>
        %add3A_577 = arith.addf %add3A_547, %get3A_576 : vector<16xf32>
        %get3A_578 = arith.constant 2 : i32
        %get3A_579 = arith.index_cast %get3A_578 : i32 to index
        %get3A_580 = arith.index_cast %scan3A_556 : i32 to index
        %get3A_581 = arith.constant 48 : index
        %get3A_582 = tpu.vector_load %arg6[%get3A_579, %get3A_580, %get3A_581] {strides = array<i32>} : memref<4x200x64xf32, #tpu.memory_space<vmem>>, vector<1x1x16xf32>,
        %get3A_583 = vector.shape_cast %get3A_582 : vector<1x1x16xf32> to vector<16xf32>
        %add3A_584 = arith.addf %add3A_554, %get3A_583 : vector<16xf32>
        %scan3A_585 = arith.constant 5 : i32
        %scan3A_586 = arith.addi %scan3A_433, %scan3A_585 : i32
        %get3A_587 = arith.constant 2 : i32
        %get3A_588 = arith.index_cast %get3A_587 : i32 to index
        %get3A_589 = arith.index_cast %scan3A_586 : i32 to index
        %get3A_590 = arith.constant 0 : index
        %get3A_591 = tpu.vector_load %arg6[%get3A_588, %get3A_589, %get3A_590] {strides = array<i32>} : memref<4x200x64xf32, #tpu.memory_space<vmem>>, vector<1x1x16xf32>,
        %get3A_592 = vector.shape_cast %get3A_591 : vector<1x1x16xf32> to vector<16xf32>
        %add3A_593 = arith.addf %add3A_563, %get3A_592 : vector<16xf32>
        %get3A_594 = arith.constant 2 : i32
        %get3A_595 = arith.index_cast %get3A_594 : i32 to index
        %get3A_596 = arith.index_cast %scan3A_586 : i32 to index
        %get3A_597 = arith.constant 16 : index
        %get3A_598 = tpu.vector_load %arg6[%get3A_595, %get3A_596, %get3A_597] {strides = array<i32>} : memref<4x200x64xf32, #tpu.memory_space<vmem>>, vector<1x1x16xf32>,
        %get3A_599 = vector.shape_cast %get3A_598 : vector<1x1x16xf32> to vector<16xf32>
        %add3A_600 = arith.addf %add3A_570, %get3A_599 : vector<16xf32>
        %get3A_601 = arith.constant 2 : i32
        %get3A_602 = arith.index_cast %get3A_601 : i32 to index
        %get3A_603 = arith.index_cast %scan3A_586 : i32 to index
        %get3A_604 = arith.constant 32 : index
        %get3A_605 = tpu.vector_load %arg6[%get3A_602, %get3A_603, %get3A_604] {strides = array<i32>} : memref<4x200x64xf32, #tpu.memory_space<vmem>>, vector<1x1x16xf32>,
        %get3A_606 = vector.shape_cast %get3A_605 : vector<1x1x16xf32> to vector<16xf32>
        %add3A_607 = arith.addf %add3A_577, %get3A_606 : vector<16xf32>
        %get3A_608 = arith.constant 2 : i32
        %get3A_609 = arith.index_cast %get3A_608 : i32 to index
        %get3A_610 = arith.index_cast %scan3A_586 : i32 to index
        %get3A_611 = arith.constant 48 : index
        %get3A_612 = tpu.vector_load %arg6[%get3A_609, %get3A_610, %get3A_611] {strides = array<i32>} : memref<4x200x64xf32, #tpu.memory_space<vmem>>, vector<1x1x16xf32>,
        %get3A_613 = vector.shape_cast %get3A_612 : vector<1x1x16xf32> to vector<16xf32>
        %add3A_614 = arith.addf %add3A_584, %get3A_613 : vector<16xf32>
        %scan3A_615 = arith.constant 6 : i32
        %scan3A_616 = arith.addi %scan3A_433, %scan3A_615 : i32
        %get3A_617 = arith.constant 2 : i32
        %get3A_618 = arith.index_cast %get3A_617 : i32 to index
        %get3A_619 = arith.index_cast %scan3A_616 : i32 to index
        %get3A_620 = arith.constant 0 : index
        %get3A_621 = tpu.vector_load %arg6[%get3A_618, %get3A_619, %get3A_620] {strides = array<i32>} : memref<4x200x64xf32, #tpu.memory_space<vmem>>, vector<1x1x16xf32>,
        %get3A_622 = vector.shape_cast %get3A_621 : vector<1x1x16xf32> to vector<16xf32>
        %add3A_623 = arith.addf %add3A_593, %get3A_622 : vector<16xf32>
        %get3A_624 = arith.constant 2 : i32
        %get3A_625 = arith.index_cast %get3A_624 : i32 to index
        %get3A_626 = arith.index_cast %scan3A_616 : i32 to index
        %get3A_627 = arith.constant 16 : index
        %get3A_628 = tpu.vector_load %arg6[%get3A_625, %get3A_626, %get3A_627] {strides = array<i32>} : memref<4x200x64xf32, #tpu.memory_space<vmem>>, vector<1x1x16xf32>,
        %get3A_629 = vector.shape_cast %get3A_628 : vector<1x1x16xf32> to vector<16xf32>
        %add3A_630 = arith.addf %add3A_600, %get3A_629 : vector<16xf32>
        %get3A_631 = arith.constant 2 : i32
        %get3A_632 = arith.index_cast %get3A_631 : i32 to index
        %get3A_633 = arith.index_cast %scan3A_616 : i32 to index
        %get3A_634 = arith.constant 32 : index
        %get3A_635 = tpu.vector_load %arg6[%get3A_632, %get3A_633, %get3A_634] {strides = array<i32>} : memref<4x200x64xf32, #tpu.memory_space<vmem>>, vector<1x1x16xf32>,
        %get3A_636 = vector.shape_cast %get3A_635 : vector<1x1x16xf32> to vector<16xf32>
        %add3A_637 = arith.addf %add3A_607, %get3A_636 : vector<16xf32>
        %get3A_638 = arith.constant 2 : i32
        %get3A_639 = arith.index_cast %get3A_638 : i32 to index
        %get3A_640 = arith.index_cast %scan3A_616 : i32 to index
        %get3A_641 = arith.constant 48 : index
        %get3A_642 = tpu.vector_load %arg6[%get3A_639, %get3A_640, %get3A_641] {strides = array<i32>} : memref<4x200x64xf32, #tpu.memory_space<vmem>>, vector<1x1x16xf32>,
        %get3A_643 = vector.shape_cast %get3A_642 : vector<1x1x16xf32> to vector<16xf32>
        %add3A_644 = arith.addf %add3A_614, %get3A_643 : vector<16xf32>
        %scan3A_645 = arith.constant 7 : i32
        %scan3A_646 = arith.addi %scan3A_433, %scan3A_645 : i32
        %get3A_647 = arith.constant 2 : i32
        %get3A_648 = arith.index_cast %get3A_647 : i32 to index
        %get3A_649 = arith.index_cast %scan3A_646 : i32 to index
        %get3A_650 = arith.constant 0 : index
        %get3A_651 = tpu.vector_load %arg6[%get3A_648, %get3A_649, %get3A_650] {strides = array<i32>} : memref<4x200x64xf32, #tpu.memory_space<vmem>>, vector<1x1x16xf32>,
        %get3A_652 = vector.shape_cast %get3A_651 : vector<1x1x16xf32> to vector<16xf32>
        %add3A_653 = arith.addf %add3A_623, %get3A_652 : vector<16xf32>
        %get3A_654 = arith.constant 2 : i32
        %get3A_655 = arith.index_cast %get3A_654 : i32 to index
        %get3A_656 = arith.index_cast %scan3A_646 : i32 to index
        %get3A_657 = arith.constant 16 : index
        %get3A_658 = tpu.vector_load %arg6[%get3A_655, %get3A_656, %get3A_657] {strides = array<i32>} : memref<4x200x64xf32, #tpu.memory_space<vmem>>, vector<1x1x16xf32>,
        %get3A_659 = vector.shape_cast %get3A_658 : vector<1x1x16xf32> to vector<16xf32>
        %add3A_660 = arith.addf %add3A_630, %get3A_659 : vector<16xf32>
        %get3A_661 = arith.constant 2 : i32
        %get3A_662 = arith.index_cast %get3A_661 : i32 to index
        %get3A_663 = arith.index_cast %scan3A_646 : i32 to index
        %get3A_664 = arith.constant 32 : index
        %get3A_665 = tpu.vector_load %arg6[%get3A_662, %get3A_663, %get3A_664] {strides = array<i32>} : memref<4x200x64xf32, #tpu.memory_space<vmem>>, vector<1x1x16xf32>,
        %get3A_666 = vector.shape_cast %get3A_665 : vector<1x1x16xf32> to vector<16xf32>
        %add3A_667 = arith.addf %add3A_637, %get3A_666 : vector<16xf32>
        %get3A_668 = arith.constant 2 : i32
        %get3A_669 = arith.index_cast %get3A_668 : i32 to index
        %get3A_670 = arith.index_cast %scan3A_646 : i32 to index
        %get3A_671 = arith.constant 48 : index
        %get3A_672 = tpu.vector_load %arg6[%get3A_669, %get3A_670, %get3A_671] {strides = array<i32>} : memref<4x200x64xf32, #tpu.memory_space<vmem>>, vector<1x1x16xf32>,
        %get3A_673 = vector.shape_cast %get3A_672 : vector<1x1x16xf32> to vector<16xf32>
        %add3A_674 = arith.addf %add3A_644, %get3A_673 : vector<16xf32>
        scf.yield %add3A_653, %add3A_660, %add3A_667, %add3A_674 : vector<16xf32>, vector<16xf32>, vector<16xf32>, vector<16xf32>
      }
      %scan3A_314 = arith.constant 200 : i32
      %mul3A_315 = vector.broadcast %scan3A_100 : f32 to vector<16xf32>
      %mul3A_316 = arith.mulf %scan3A_313#0, %mul3A_315 : vector<16xf32>
      %swap3A_317 = arith.index_cast %add3A_270 : i32 to index
      %swap3A_318 = arith.constant 0 : index
      %swap3A_319 = tpu.vector_load %arg7[%swap3A_317, %swap3A_318] {strides = array<i32>} : memref<128x64xf32, #tpu.memory_space<vmem>>, vector<1x16xf32>,
      %swap3A_320 = vector.shape_cast %swap3A_319 : vector<1x16xf32> to vector<16xf32>
      %swap3A_321 = vector.shape_cast %mul3A_316 : vector<16xf32> to vector<1x16xf32>
      tpu.vector_store %arg7[%swap3A_317, %swap3A_318], %swap3A_321 {strides = array<i32>} : memref<128x64xf32, #tpu.memory_space<vmem>>, vector<1x16xf32>,
      %mul3A_322 = vector.broadcast %scan3A_100 : f32 to vector<16xf32>
      %mul3A_323 = arith.mulf %scan3A_313#1, %mul3A_322 : vector<16xf32>
      %swap3A_324 = arith.index_cast %add3A_270 : i32 to index
      %swap3A_325 = arith.constant 16 : index
      %swap3A_326 = tpu.vector_load %arg7[%swap3A_324, %swap3A_325] {strides = array<i32>} : memref<128x64xf32, #tpu.memory_space<vmem>>, vector<1x16xf32>,
      %swap3A_327 = vector.shape_cast %swap3A_326 : vector<1x16xf32> to vector<16xf32>
      %swap3A_328 = vector.shape_cast %mul3A_323 : vector<16xf32> to vector<1x16xf32>
      tpu.vector_store %arg7[%swap3A_324, %swap3A_325], %swap3A_328 {strides = array<i32>} : memref<128x64xf32, #tpu.memory_space<vmem>>, vector<1x16xf32>,
      %mul3A_329 = vector.broadcast %scan3A_100 : f32 to vector<16xf32>
      %mul3A_330 = arith.mulf %scan3A_313#2, %mul3A_329 : vector<16xf32>
      %swap3A_331 = arith.index_cast %add3A_270 : i32 to index
      %swap3A_332 = arith.constant 32 : index
      %swap3A_333 = tpu.vector_load %arg7[%swap3A_331, %swap3A_332] {strides = array<i32>} : memref<128x64xf32, #tpu.memory_space<vmem>>, vector<1x16xf32>,
      %swap3A_334 = vector.shape_cast %swap3A_333 : vector<1x16xf32> to vector<16xf32>
      %swap3A_335 = vector.shape_cast %mul3A_330 : vector<16xf32> to vector<1x16xf32>
      tpu.vector_store %arg7[%swap3A_331, %swap3A_332], %swap3A_335 {strides = array<i32>} : memref<128x64xf32, #tpu.memory_space<vmem>>, vector<1x16xf32>,
      %mul3A_336 = vector.broadcast %scan3A_100 : f32 to vector<16xf32>
      %mul3A_337 = arith.mulf %scan3A_313#3, %mul3A_336 : vector<16xf32>
      %swap3A_338 = arith.index_cast %add3A_270 : i32 to index
      %swap3A_339 = arith.constant 48 : index
      %swap3A_340 = tpu.vector_load %arg7[%swap3A_338, %swap3A_339] {strides = array<i32>} : memref<128x64xf32, #tpu.memory_space<vmem>>, vector<1x16xf32>,
      %swap3A_341 = vector.shape_cast %swap3A_340 : vector<1x16xf32> to vector<16xf32>
      %swap3A_342 = vector.shape_cast %mul3A_337 : vector<16xf32> to vector<1x16xf32>
      tpu.vector_store %arg7[%swap3A_338, %swap3A_339], %swap3A_342 {strides = array<i32>} : memref<128x64xf32, #tpu.memory_space<vmem>>, vector<1x16xf32>,
      %add3A_343 = arith.constant 4 : i32
      %add3A_344 = arith.addi %add3A_270, %add3A_343 : i32
      %lt3A_345 = arith.constant 128 : i32
      %lt3A_346 = arith.cmpi slt, %add3A_344, %lt3A_345 : i32
      %convert_element_type3A_347 = arith.extui %lt3A_346 : i1 to i32
      %cond3A_348 = arith.constant 0 : i32
      %cond3A_349 = arith.cmpi ne, %convert_element_type3A_347, %cond3A_348 : i32
      scf.if %cond3A_349 {
        %add3A_433 = arith.constant 4 : i32
        %add3A_434 = arith.addi %add3A_270, %add3A_433 : i32
        %mul3A_435 = arith.constant 2 : i32
        %mul3A_436 = arith.muli %add3A_434, %mul3A_435 : i32
        %add3A_437 = arith.constant 0 : i32
        %add3A_438 = arith.addi %mul3A_436, %add3A_437 : i32
        %dma_start3A_439 = arith.constant 2 : i32
        %dma_start3A_440 = arith.constant 0 : i32
        %dma_start3A_441 = arith.constant 0 : i32
        %dma_start3A_442 = tpu.memref_slice %arg6[%dma_start3A_439, %dma_start3A_440, %dma_start3A_441] : memref<4x200x64xf32, #tpu.memory_space<vmem>> -> memref<1x100x64xf32, #tpu.memory_space<vmem>>
        %dma_start3A_443 = tpu.memref_squeeze %dma_start3A_442 : memref<1x100x64xf32, #tpu.memory_space<vmem>> -> memref<100x64xf32, #tpu.memory_space<vmem>>
        %dma_start3A_444 = arith.constant 0 : i32
        %dma_start3A_445 = tpu.memref_slice %arg5[%add3A_438, %dma_start3A_444] : memref<256x100xi32, #tpu.memory_space<vmem>> -> memref<1x100xi32, #tpu.memory_space<vmem>>
        %dma_start3A_446 = tpu.memref_squeeze %dma_start3A_445 : memref<1x100xi32, #tpu.memory_space<vmem>> -> memref<100xi32, #tpu.memory_space<vmem>>
        %dma_start3A_447 = arith.constant 0 : i32
        %dma_start3A_448 = arith.constant 0 : i32
        %dma_start3A_449 = tpu.memref_slice %arg3[%dma_start3A_447, %dma_start3A_448] : memref<1000000x64xf32, #tpu.memory_space<hbm>> -> memref<1000000x64xf32, #tpu.memory_space<hbm>>
        tpu.enqueue_indirect_dma source(%dma_start3A_449 : memref<1000000x64xf32, #tpu.memory_space<hbm>>) target(%dma_start3A_443 : memref<100x64xf32, #tpu.memory_space<vmem>>) offsets(%dma_start3A_446 : memref<100xi32, #tpu.memory_space<vmem>>) semaphore(%arg10 : memref<!tpu.dma_semaphore, #tpu.memory_space<semaphore_mem>>)
        %mul3A_450 = arith.constant 2 : i32
        %mul3A_451 = arith.muli %add3A_434, %mul3A_450 : i32
        %add3A_452 = arith.constant 1 : i32
        %add3A_453 = arith.addi %mul3A_451, %add3A_452 : i32
        %dma_start3A_454 = arith.constant 2 : i32
        %dma_start3A_455 = arith.constant 100 : i32
        %dma_start3A_456 = arith.constant 0 : i32
        %dma_start3A_457 = tpu.memref_slice %arg6[%dma_start3A_454, %dma_start3A_455, %dma_start3A_456] : memref<4x200x64xf32, #tpu.memory_space<vmem>> -> memref<1x100x64xf32, #tpu.memory_space<vmem>>
        %dma_start3A_458 = tpu.memref_squeeze %dma_start3A_457 : memref<1x100x64xf32, #tpu.memory_space<vmem>> -> memref<100x64xf32, #tpu.memory_space<vmem>>
        %dma_start3A_459 = arith.constant 0 : i32
        %dma_start3A_460 = tpu.memref_slice %arg5[%add3A_453, %dma_start3A_459] : memref<256x100xi32, #tpu.memory_space<vmem>> -> memref<1x100xi32, #tpu.memory_space<vmem>>
        %dma_start3A_461 = tpu.memref_squeeze %dma_start3A_460 : memref<1x100xi32, #tpu.memory_space<vmem>> -> memref<100xi32, #tpu.memory_space<vmem>>
        %dma_start3A_462 = arith.constant 0 : i32
        %dma_start3A_463 = arith.constant 0 : i32
        %dma_start3A_464 = tpu.memref_slice %arg3[%dma_start3A_462, %dma_start3A_463] : memref<1000000x64xf32, #tpu.memory_space<hbm>> -> memref<1000000x64xf32, #tpu.memory_space<hbm>>
        tpu.enqueue_indirect_dma source(%dma_start3A_464 : memref<1000000x64xf32, #tpu.memory_space<hbm>>) target(%dma_start3A_458 : memref<100x64xf32, #tpu.memory_space<vmem>>) offsets(%dma_start3A_461 : memref<100xi32, #tpu.memory_space<vmem>>) semaphore(%arg10 : memref<!tpu.dma_semaphore, #tpu.memory_space<semaphore_mem>>)
      } else {
      }
      %mul3A_350 = arith.constant 4 : i32
      %mul3A_351 = arith.muli %scan3A_106, %mul3A_350 : i32
      %add3A_352 = arith.constant 3 : i32
      %add3A_353 = arith.addi %mul3A_351, %add3A_352 : i32
      %mul3A_354 = arith.constant 2 : i32
      %mul3A_355 = arith.muli %add3A_353, %mul3A_354 : i32
      %add3A_356 = arith.constant 0 : i32
      %add3A_357 = arith.addi %mul3A_355, %add3A_356 : i32
      %dma_wait3A_358 = arith.constant 3 : i32
      %dma_wait3A_359 = arith.constant 0 : i32
      %dma_wait3A_360 = arith.constant 0 : i32
      %dma_wait3A_361 = tpu.memref_slice %arg6[%dma_wait3A_358, %dma_wait3A_359, %dma_wait3A_360] : memref<4x200x64xf32, #tpu.memory_space<vmem>> -> memref<1x100x64xf32, #tpu.memory_space<vmem>>
      %dma_wait3A_362 = tpu.memref_squeeze %dma_wait3A_361 : memref<1x100x64xf32, #tpu.memory_space<vmem>> -> memref<100x64xf32, #tpu.memory_space<vmem>>
      %dma_wait3A_363 = arith.constant 0 : i32
      %dma_wait3A_364 = tpu.memref_slice %arg5[%add3A_357, %dma_wait3A_363] : memref<256x100xi32, #tpu.memory_space<vmem>> -> memref<1x100xi32, #tpu.memory_space<vmem>>
      %dma_wait3A_365 = tpu.memref_squeeze %dma_wait3A_364 : memref<1x100xi32, #tpu.memory_space<vmem>> -> memref<100xi32, #tpu.memory_space<vmem>>
      %dma_wait3A_366 = arith.constant 0 : i32
      %dma_wait3A_367 = arith.constant 0 : i32
      %dma_wait3A_368 = tpu.memref_slice %arg3[%dma_wait3A_366, %dma_wait3A_367] : memref<1000000x64xf32, #tpu.memory_space<hbm>> -> memref<1000000x64xf32, #tpu.memory_space<hbm>>
      tpu.wait_indirect_dma semaphore(%arg11 : memref<!tpu.dma_semaphore, #tpu.memory_space<semaphore_mem>>) src(%dma_wait3A_368 : memref<1000000x64xf32, #tpu.memory_space<hbm>>) dst(%dma_wait3A_362 : memref<100x64xf32, #tpu.memory_space<vmem>>)
      %mul3A_369 = arith.constant 2 : i32
      %mul3A_370 = arith.muli %add3A_353, %mul3A_369 : i32
      %add3A_371 = arith.constant 1 : i32
      %add3A_372 = arith.addi %mul3A_370, %add3A_371 : i32
      %dma_wait3A_373 = arith.constant 3 : i32
      %dma_wait3A_374 = arith.constant 100 : i32
      %dma_wait3A_375 = arith.constant 0 : i32
      %dma_wait3A_376 = tpu.memref_slice %arg6[%dma_wait3A_373, %dma_wait3A_374, %dma_wait3A_375] : memref<4x200x64xf32, #tpu.memory_space<vmem>> -> memref<1x100x64xf32, #tpu.memory_space<vmem>>
      %dma_wait3A_377 = tpu.memref_squeeze %dma_wait3A_376 : memref<1x100x64xf32, #tpu.memory_space<vmem>> -> memref<100x64xf32, #tpu.memory_space<vmem>>
      %dma_wait3A_378 = arith.constant 0 : i32
      %dma_wait3A_379 = tpu.memref_slice %arg5[%add3A_372, %dma_wait3A_378] : memref<256x100xi32, #tpu.memory_space<vmem>> -> memref<1x100xi32, #tpu.memory_space<vmem>>
      %dma_wait3A_380 = tpu.memref_squeeze %dma_wait3A_379 : memref<1x100xi32, #tpu.memory_space<vmem>> -> memref<100xi32, #tpu.memory_space<vmem>>
      %dma_wait3A_381 = arith.constant 0 : i32
      %dma_wait3A_382 = arith.constant 0 : i32
      %dma_wait3A_383 = tpu.memref_slice %arg3[%dma_wait3A_381, %dma_wait3A_382] : memref<1000000x64xf32, #tpu.memory_space<hbm>> -> memref<1000000x64xf32, #tpu.memory_space<hbm>>
      tpu.wait_indirect_dma semaphore(%arg11 : memref<!tpu.dma_semaphore, #tpu.memory_space<semaphore_mem>>) src(%dma_wait3A_383 : memref<1000000x64xf32, #tpu.memory_space<hbm>>) dst(%dma_wait3A_377 : memref<100x64xf32, #tpu.memory_space<vmem>>)
      %broadcast_in_dim3A_384 = arith.constant 0.000000e+00 : f32
      %broadcast_in_dim3A_385 = vector.broadcast %broadcast_in_dim3A_384 : f32 to vector<16xf32>
      %broadcast_in_dim3A_386 = arith.constant 0.000000e+00 : f32
      %broadcast_in_dim3A_387 = vector.broadcast %broadcast_in_dim3A_386 : f32 to vector<16xf32>
      %broadcast_in_dim3A_388 = arith.constant 0.000000e+00 : f32
      %broadcast_in_dim3A_389 = vector.broadcast %broadcast_in_dim3A_388 : f32 to vector<16xf32>
      %broadcast_in_dim3A_390 = arith.constant 0.000000e+00 : f32
      %broadcast_in_dim3A_391 = vector.broadcast %broadcast_in_dim3A_390 : f32 to vector<16xf32>
      %scan3A_392 = arith.constant 0 : i32
      %scan3A_393 = arith.constant 200 : i32
      %scan3A_394 = arith.addi %scan3A_392, %scan3A_393 : i32
      %scan3A_395 = arith.constant 8 : i32
      %scan3A_396:4 = scf.for %scan3A_433 = %scan3A_392 to %scan3A_394 step %scan3A_395 iter_args(%scan3A_434 = %broadcast_in_dim3A_385, %scan3A_435 = %broadcast_in_dim3A_387, %scan3A_436 = %broadcast_in_dim3A_389, %scan3A_437 = %broadcast_in_dim3A_391) -> (vector<16xf32>, vector<16xf32>, vector<16xf32>, vector<16xf32>)  : i32 {
        %get3A = arith.constant 3 : i32
        %get3A_438 = arith.index_cast %get3A : i32 to index
        %get3A_439 = arith.index_cast %scan3A_433 : i32 to index
        %get3A_440 = arith.constant 0 : index
        %get3A_441 = tpu.vector_load %arg6[%get3A_438, %get3A_439, %get3A_440] {strides = array<i32>} : memref<4x200x64xf32, #tpu.memory_space<vmem>>, vector<1x1x16xf32>,
        %get3A_442 = vector.shape_cast %get3A_441 : vector<1x1x16xf32> to vector<16xf32>
        %add3A_443 = arith.addf %scan3A_434, %get3A_442 : vector<16xf32>
        %get3A_444 = arith.constant 3 : i32
        %get3A_445 = arith.index_cast %get3A_444 : i32 to index
        %get3A_446 = arith.index_cast %scan3A_433 : i32 to index
        %get3A_447 = arith.constant 16 : index
        %get3A_448 = tpu.vector_load %arg6[%get3A_445, %get3A_446, %get3A_447] {strides = array<i32>} : memref<4x200x64xf32, #tpu.memory_space<vmem>>, vector<1x1x16xf32>,
        %get3A_449 = vector.shape_cast %get3A_448 : vector<1x1x16xf32> to vector<16xf32>
        %add3A_450 = arith.addf %scan3A_435, %get3A_449 : vector<16xf32>
        %get3A_451 = arith.constant 3 : i32
        %get3A_452 = arith.index_cast %get3A_451 : i32 to index
        %get3A_453 = arith.index_cast %scan3A_433 : i32 to index
        %get3A_454 = arith.constant 32 : index
        %get3A_455 = tpu.vector_load %arg6[%get3A_452, %get3A_453, %get3A_454] {strides = array<i32>} : memref<4x200x64xf32, #tpu.memory_space<vmem>>, vector<1x1x16xf32>,
        %get3A_456 = vector.shape_cast %get3A_455 : vector<1x1x16xf32> to vector<16xf32>
        %add3A_457 = arith.addf %scan3A_436, %get3A_456 : vector<16xf32>
        %get3A_458 = arith.constant 3 : i32
        %get3A_459 = arith.index_cast %get3A_458 : i32 to index
        %get3A_460 = arith.index_cast %scan3A_433 : i32 to index
        %get3A_461 = arith.constant 48 : index
        %get3A_462 = tpu.vector_load %arg6[%get3A_459, %get3A_460, %get3A_461] {strides = array<i32>} : memref<4x200x64xf32, #tpu.memory_space<vmem>>, vector<1x1x16xf32>,
        %get3A_463 = vector.shape_cast %get3A_462 : vector<1x1x16xf32> to vector<16xf32>
        %add3A_464 = arith.addf %scan3A_437, %get3A_463 : vector<16xf32>
        %scan3A_465 = arith.constant 1 : i32
        %scan3A_466 = arith.addi %scan3A_433, %scan3A_465 : i32
        %get3A_467 = arith.constant 3 : i32
        %get3A_468 = arith.index_cast %get3A_467 : i32 to index
        %get3A_469 = arith.index_cast %scan3A_466 : i32 to index
        %get3A_470 = arith.constant 0 : index
        %get3A_471 = tpu.vector_load %arg6[%get3A_468, %get3A_469, %get3A_470] {strides = array<i32>} : memref<4x200x64xf32, #tpu.memory_space<vmem>>, vector<1x1x16xf32>,
        %get3A_472 = vector.shape_cast %get3A_471 : vector<1x1x16xf32> to vector<16xf32>
        %add3A_473 = arith.addf %add3A_443, %get3A_472 : vector<16xf32>
        %get3A_474 = arith.constant 3 : i32
        %get3A_475 = arith.index_cast %get3A_474 : i32 to index
        %get3A_476 = arith.index_cast %scan3A_466 : i32 to index
        %get3A_477 = arith.constant 16 : index
        %get3A_478 = tpu.vector_load %arg6[%get3A_475, %get3A_476, %get3A_477] {strides = array<i32>} : memref<4x200x64xf32, #tpu.memory_space<vmem>>, vector<1x1x16xf32>,
        %get3A_479 = vector.shape_cast %get3A_478 : vector<1x1x16xf32> to vector<16xf32>
        %add3A_480 = arith.addf %add3A_450, %get3A_479 : vector<16xf32>
        %get3A_481 = arith.constant 3 : i32
        %get3A_482 = arith.index_cast %get3A_481 : i32 to index
        %get3A_483 = arith.index_cast %scan3A_466 : i32 to index
        %get3A_484 = arith.constant 32 : index
        %get3A_485 = tpu.vector_load %arg6[%get3A_482, %get3A_483, %get3A_484] {strides = array<i32>} : memref<4x200x64xf32, #tpu.memory_space<vmem>>, vector<1x1x16xf32>,
        %get3A_486 = vector.shape_cast %get3A_485 : vector<1x1x16xf32> to vector<16xf32>
        %add3A_487 = arith.addf %add3A_457, %get3A_486 : vector<16xf32>
        %get3A_488 = arith.constant 3 : i32
        %get3A_489 = arith.index_cast %get3A_488 : i32 to index
        %get3A_490 = arith.index_cast %scan3A_466 : i32 to index
        %get3A_491 = arith.constant 48 : index
        %get3A_492 = tpu.vector_load %arg6[%get3A_489, %get3A_490, %get3A_491] {strides = array<i32>} : memref<4x200x64xf32, #tpu.memory_space<vmem>>, vector<1x1x16xf32>,
        %get3A_493 = vector.shape_cast %get3A_492 : vector<1x1x16xf32> to vector<16xf32>
        %add3A_494 = arith.addf %add3A_464, %get3A_493 : vector<16xf32>
        %scan3A_495 = arith.constant 2 : i32
        %scan3A_496 = arith.addi %scan3A_433, %scan3A_495 : i32
        %get3A_497 = arith.constant 3 : i32
        %get3A_498 = arith.index_cast %get3A_497 : i32 to index
        %get3A_499 = arith.index_cast %scan3A_496 : i32 to index
        %get3A_500 = arith.constant 0 : index
        %get3A_501 = tpu.vector_load %arg6[%get3A_498, %get3A_499, %get3A_500] {strides = array<i32>} : memref<4x200x64xf32, #tpu.memory_space<vmem>>, vector<1x1x16xf32>,
        %get3A_502 = vector.shape_cast %get3A_501 : vector<1x1x16xf32> to vector<16xf32>
        %add3A_503 = arith.addf %add3A_473, %get3A_502 : vector<16xf32>
        %get3A_504 = arith.constant 3 : i32
        %get3A_505 = arith.index_cast %get3A_504 : i32 to index
        %get3A_506 = arith.index_cast %scan3A_496 : i32 to index
        %get3A_507 = arith.constant 16 : index
        %get3A_508 = tpu.vector_load %arg6[%get3A_505, %get3A_506, %get3A_507] {strides = array<i32>} : memref<4x200x64xf32, #tpu.memory_space<vmem>>, vector<1x1x16xf32>,
        %get3A_509 = vector.shape_cast %get3A_508 : vector<1x1x16xf32> to vector<16xf32>
        %add3A_510 = arith.addf %add3A_480, %get3A_509 : vector<16xf32>
        %get3A_511 = arith.constant 3 : i32
        %get3A_512 = arith.index_cast %get3A_511 : i32 to index
        %get3A_513 = arith.index_cast %scan3A_496 : i32 to index
        %get3A_514 = arith.constant 32 : index
        %get3A_515 = tpu.vector_load %arg6[%get3A_512, %get3A_513, %get3A_514] {strides = array<i32>} : memref<4x200x64xf32, #tpu.memory_space<vmem>>, vector<1x1x16xf32>,
        %get3A_516 = vector.shape_cast %get3A_515 : vector<1x1x16xf32> to vector<16xf32>
        %add3A_517 = arith.addf %add3A_487, %get3A_516 : vector<16xf32>
        %get3A_518 = arith.constant 3 : i32
        %get3A_519 = arith.index_cast %get3A_518 : i32 to index
        %get3A_520 = arith.index_cast %scan3A_496 : i32 to index
        %get3A_521 = arith.constant 48 : index
        %get3A_522 = tpu.vector_load %arg6[%get3A_519, %get3A_520, %get3A_521] {strides = array<i32>} : memref<4x200x64xf32, #tpu.memory_space<vmem>>, vector<1x1x16xf32>,
        %get3A_523 = vector.shape_cast %get3A_522 : vector<1x1x16xf32> to vector<16xf32>
        %add3A_524 = arith.addf %add3A_494, %get3A_523 : vector<16xf32>
        %scan3A_525 = arith.constant 3 : i32
        %scan3A_526 = arith.addi %scan3A_433, %scan3A_525 : i32
        %get3A_527 = arith.constant 3 : i32
        %get3A_528 = arith.index_cast %get3A_527 : i32 to index
        %get3A_529 = arith.index_cast %scan3A_526 : i32 to index
        %get3A_530 = arith.constant 0 : index
        %get3A_531 = tpu.vector_load %arg6[%get3A_528, %get3A_529, %get3A_530] {strides = array<i32>} : memref<4x200x64xf32, #tpu.memory_space<vmem>>, vector<1x1x16xf32>,
        %get3A_532 = vector.shape_cast %get3A_531 : vector<1x1x16xf32> to vector<16xf32>
        %add3A_533 = arith.addf %add3A_503, %get3A_532 : vector<16xf32>
        %get3A_534 = arith.constant 3 : i32
        %get3A_535 = arith.index_cast %get3A_534 : i32 to index
        %get3A_536 = arith.index_cast %scan3A_526 : i32 to index
        %get3A_537 = arith.constant 16 : index
        %get3A_538 = tpu.vector_load %arg6[%get3A_535, %get3A_536, %get3A_537] {strides = array<i32>} : memref<4x200x64xf32, #tpu.memory_space<vmem>>, vector<1x1x16xf32>,
        %get3A_539 = vector.shape_cast %get3A_538 : vector<1x1x16xf32> to vector<16xf32>
        %add3A_540 = arith.addf %add3A_510, %get3A_539 : vector<16xf32>
        %get3A_541 = arith.constant 3 : i32
        %get3A_542 = arith.index_cast %get3A_541 : i32 to index
        %get3A_543 = arith.index_cast %scan3A_526 : i32 to index
        %get3A_544 = arith.constant 32 : index
        %get3A_545 = tpu.vector_load %arg6[%get3A_542, %get3A_543, %get3A_544] {strides = array<i32>} : memref<4x200x64xf32, #tpu.memory_space<vmem>>, vector<1x1x16xf32>,
        %get3A_546 = vector.shape_cast %get3A_545 : vector<1x1x16xf32> to vector<16xf32>
        %add3A_547 = arith.addf %add3A_517, %get3A_546 : vector<16xf32>
        %get3A_548 = arith.constant 3 : i32
        %get3A_549 = arith.index_cast %get3A_548 : i32 to index
        %get3A_550 = arith.index_cast %scan3A_526 : i32 to index
        %get3A_551 = arith.constant 48 : index
        %get3A_552 = tpu.vector_load %arg6[%get3A_549, %get3A_550, %get3A_551] {strides = array<i32>} : memref<4x200x64xf32, #tpu.memory_space<vmem>>, vector<1x1x16xf32>,
        %get3A_553 = vector.shape_cast %get3A_552 : vector<1x1x16xf32> to vector<16xf32>
        %add3A_554 = arith.addf %add3A_524, %get3A_553 : vector<16xf32>
        %scan3A_555 = arith.constant 4 : i32
        %scan3A_556 = arith.addi %scan3A_433, %scan3A_555 : i32
        %get3A_557 = arith.constant 3 : i32
        %get3A_558 = arith.index_cast %get3A_557 : i32 to index
        %get3A_559 = arith.index_cast %scan3A_556 : i32 to index
        %get3A_560 = arith.constant 0 : index
        %get3A_561 = tpu.vector_load %arg6[%get3A_558, %get3A_559, %get3A_560] {strides = array<i32>} : memref<4x200x64xf32, #tpu.memory_space<vmem>>, vector<1x1x16xf32>,
        %get3A_562 = vector.shape_cast %get3A_561 : vector<1x1x16xf32> to vector<16xf32>
        %add3A_563 = arith.addf %add3A_533, %get3A_562 : vector<16xf32>
        %get3A_564 = arith.constant 3 : i32
        %get3A_565 = arith.index_cast %get3A_564 : i32 to index
        %get3A_566 = arith.index_cast %scan3A_556 : i32 to index
        %get3A_567 = arith.constant 16 : index
        %get3A_568 = tpu.vector_load %arg6[%get3A_565, %get3A_566, %get3A_567] {strides = array<i32>} : memref<4x200x64xf32, #tpu.memory_space<vmem>>, vector<1x1x16xf32>,
        %get3A_569 = vector.shape_cast %get3A_568 : vector<1x1x16xf32> to vector<16xf32>
        %add3A_570 = arith.addf %add3A_540, %get3A_569 : vector<16xf32>
        %get3A_571 = arith.constant 3 : i32
        %get3A_572 = arith.index_cast %get3A_571 : i32 to index
        %get3A_573 = arith.index_cast %scan3A_556 : i32 to index
        %get3A_574 = arith.constant 32 : index
        %get3A_575 = tpu.vector_load %arg6[%get3A_572, %get3A_573, %get3A_574] {strides = array<i32>} : memref<4x200x64xf32, #tpu.memory_space<vmem>>, vector<1x1x16xf32>,
        %get3A_576 = vector.shape_cast %get3A_575 : vector<1x1x16xf32> to vector<16xf32>
        %add3A_577 = arith.addf %add3A_547, %get3A_576 : vector<16xf32>
        %get3A_578 = arith.constant 3 : i32
        %get3A_579 = arith.index_cast %get3A_578 : i32 to index
        %get3A_580 = arith.index_cast %scan3A_556 : i32 to index
        %get3A_581 = arith.constant 48 : index
        %get3A_582 = tpu.vector_load %arg6[%get3A_579, %get3A_580, %get3A_581] {strides = array<i32>} : memref<4x200x64xf32, #tpu.memory_space<vmem>>, vector<1x1x16xf32>,
        %get3A_583 = vector.shape_cast %get3A_582 : vector<1x1x16xf32> to vector<16xf32>
        %add3A_584 = arith.addf %add3A_554, %get3A_583 : vector<16xf32>
        %scan3A_585 = arith.constant 5 : i32
        %scan3A_586 = arith.addi %scan3A_433, %scan3A_585 : i32
        %get3A_587 = arith.constant 3 : i32
        %get3A_588 = arith.index_cast %get3A_587 : i32 to index
        %get3A_589 = arith.index_cast %scan3A_586 : i32 to index
        %get3A_590 = arith.constant 0 : index
        %get3A_591 = tpu.vector_load %arg6[%get3A_588, %get3A_589, %get3A_590] {strides = array<i32>} : memref<4x200x64xf32, #tpu.memory_space<vmem>>, vector<1x1x16xf32>,
        %get3A_592 = vector.shape_cast %get3A_591 : vector<1x1x16xf32> to vector<16xf32>
        %add3A_593 = arith.addf %add3A_563, %get3A_592 : vector<16xf32>
        %get3A_594 = arith.constant 3 : i32
        %get3A_595 = arith.index_cast %get3A_594 : i32 to index
        %get3A_596 = arith.index_cast %scan3A_586 : i32 to index
        %get3A_597 = arith.constant 16 : index
        %get3A_598 = tpu.vector_load %arg6[%get3A_595, %get3A_596, %get3A_597] {strides = array<i32>} : memref<4x200x64xf32, #tpu.memory_space<vmem>>, vector<1x1x16xf32>,
        %get3A_599 = vector.shape_cast %get3A_598 : vector<1x1x16xf32> to vector<16xf32>
        %add3A_600 = arith.addf %add3A_570, %get3A_599 : vector<16xf32>
        %get3A_601 = arith.constant 3 : i32
        %get3A_602 = arith.index_cast %get3A_601 : i32 to index
        %get3A_603 = arith.index_cast %scan3A_586 : i32 to index
        %get3A_604 = arith.constant 32 : index
        %get3A_605 = tpu.vector_load %arg6[%get3A_602, %get3A_603, %get3A_604] {strides = array<i32>} : memref<4x200x64xf32, #tpu.memory_space<vmem>>, vector<1x1x16xf32>,
        %get3A_606 = vector.shape_cast %get3A_605 : vector<1x1x16xf32> to vector<16xf32>
        %add3A_607 = arith.addf %add3A_577, %get3A_606 : vector<16xf32>
        %get3A_608 = arith.constant 3 : i32
        %get3A_609 = arith.index_cast %get3A_608 : i32 to index
        %get3A_610 = arith.index_cast %scan3A_586 : i32 to index
        %get3A_611 = arith.constant 48 : index
        %get3A_612 = tpu.vector_load %arg6[%get3A_609, %get3A_610, %get3A_611] {strides = array<i32>} : memref<4x200x64xf32, #tpu.memory_space<vmem>>, vector<1x1x16xf32>,
        %get3A_613 = vector.shape_cast %get3A_612 : vector<1x1x16xf32> to vector<16xf32>
        %add3A_614 = arith.addf %add3A_584, %get3A_613 : vector<16xf32>
        %scan3A_615 = arith.constant 6 : i32
        %scan3A_616 = arith.addi %scan3A_433, %scan3A_615 : i32
        %get3A_617 = arith.constant 3 : i32
        %get3A_618 = arith.index_cast %get3A_617 : i32 to index
        %get3A_619 = arith.index_cast %scan3A_616 : i32 to index
        %get3A_620 = arith.constant 0 : index
        %get3A_621 = tpu.vector_load %arg6[%get3A_618, %get3A_619, %get3A_620] {strides = array<i32>} : memref<4x200x64xf32, #tpu.memory_space<vmem>>, vector<1x1x16xf32>,
        %get3A_622 = vector.shape_cast %get3A_621 : vector<1x1x16xf32> to vector<16xf32>
        %add3A_623 = arith.addf %add3A_593, %get3A_622 : vector<16xf32>
        %get3A_624 = arith.constant 3 : i32
        %get3A_625 = arith.index_cast %get3A_624 : i32 to index
        %get3A_626 = arith.index_cast %scan3A_616 : i32 to index
        %get3A_627 = arith.constant 16 : index
        %get3A_628 = tpu.vector_load %arg6[%get3A_625, %get3A_626, %get3A_627] {strides = array<i32>} : memref<4x200x64xf32, #tpu.memory_space<vmem>>, vector<1x1x16xf32>,
        %get3A_629 = vector.shape_cast %get3A_628 : vector<1x1x16xf32> to vector<16xf32>
        %add3A_630 = arith.addf %add3A_600, %get3A_629 : vector<16xf32>
        %get3A_631 = arith.constant 3 : i32
        %get3A_632 = arith.index_cast %get3A_631 : i32 to index
        %get3A_633 = arith.index_cast %scan3A_616 : i32 to index
        %get3A_634 = arith.constant 32 : index
        %get3A_635 = tpu.vector_load %arg6[%get3A_632, %get3A_633, %get3A_634] {strides = array<i32>} : memref<4x200x64xf32, #tpu.memory_space<vmem>>, vector<1x1x16xf32>,
        %get3A_636 = vector.shape_cast %get3A_635 : vector<1x1x16xf32> to vector<16xf32>
        %add3A_637 = arith.addf %add3A_607, %get3A_636 : vector<16xf32>
        %get3A_638 = arith.constant 3 : i32
        %get3A_639 = arith.index_cast %get3A_638 : i32 to index
        %get3A_640 = arith.index_cast %scan3A_616 : i32 to index
        %get3A_641 = arith.constant 48 : index
        %get3A_642 = tpu.vector_load %arg6[%get3A_639, %get3A_640, %get3A_641] {strides = array<i32>} : memref<4x200x64xf32, #tpu.memory_space<vmem>>, vector<1x1x16xf32>,
        %get3A_643 = vector.shape_cast %get3A_642 : vector<1x1x16xf32> to vector<16xf32>
        %add3A_644 = arith.addf %add3A_614, %get3A_643 : vector<16xf32>
        %scan3A_645 = arith.constant 7 : i32
        %scan3A_646 = arith.addi %scan3A_433, %scan3A_645 : i32
        %get3A_647 = arith.constant 3 : i32
        %get3A_648 = arith.index_cast %get3A_647 : i32 to index
        %get3A_649 = arith.index_cast %scan3A_646 : i32 to index
        %get3A_650 = arith.constant 0 : index
        %get3A_651 = tpu.vector_load %arg6[%get3A_648, %get3A_649, %get3A_650] {strides = array<i32>} : memref<4x200x64xf32, #tpu.memory_space<vmem>>, vector<1x1x16xf32>,
        %get3A_652 = vector.shape_cast %get3A_651 : vector<1x1x16xf32> to vector<16xf32>
        %add3A_653 = arith.addf %add3A_623, %get3A_652 : vector<16xf32>
        %get3A_654 = arith.constant 3 : i32
        %get3A_655 = arith.index_cast %get3A_654 : i32 to index
        %get3A_656 = arith.index_cast %scan3A_646 : i32 to index
        %get3A_657 = arith.constant 16 : index
        %get3A_658 = tpu.vector_load %arg6[%get3A_655, %get3A_656, %get3A_657] {strides = array<i32>} : memref<4x200x64xf32, #tpu.memory_space<vmem>>, vector<1x1x16xf32>,
        %get3A_659 = vector.shape_cast %get3A_658 : vector<1x1x16xf32> to vector<16xf32>
        %add3A_660 = arith.addf %add3A_630, %get3A_659 : vector<16xf32>
        %get3A_661 = arith.constant 3 : i32
        %get3A_662 = arith.index_cast %get3A_661 : i32 to index
        %get3A_663 = arith.index_cast %scan3A_646 : i32 to index
        %get3A_664 = arith.constant 32 : index
        %get3A_665 = tpu.vector_load %arg6[%get3A_662, %get3A_663, %get3A_664] {strides = array<i32>} : memref<4x200x64xf32, #tpu.memory_space<vmem>>, vector<1x1x16xf32>,
        %get3A_666 = vector.shape_cast %get3A_665 : vector<1x1x16xf32> to vector<16xf32>
        %add3A_667 = arith.addf %add3A_637, %get3A_666 : vector<16xf32>
        %get3A_668 = arith.constant 3 : i32
        %get3A_669 = arith.index_cast %get3A_668 : i32 to index
        %get3A_670 = arith.index_cast %scan3A_646 : i32 to index
        %get3A_671 = arith.constant 48 : index
        %get3A_672 = tpu.vector_load %arg6[%get3A_669, %get3A_670, %get3A_671] {strides = array<i32>} : memref<4x200x64xf32, #tpu.memory_space<vmem>>, vector<1x1x16xf32>,
        %get3A_673 = vector.shape_cast %get3A_672 : vector<1x1x16xf32> to vector<16xf32>
        %add3A_674 = arith.addf %add3A_644, %get3A_673 : vector<16xf32>
        scf.yield %add3A_653, %add3A_660, %add3A_667, %add3A_674 : vector<16xf32>, vector<16xf32>, vector<16xf32>, vector<16xf32>
      }
      %scan3A_397 = arith.constant 200 : i32
      %mul3A_398 = vector.broadcast %scan3A_100 : f32 to vector<16xf32>
      %mul3A_399 = arith.mulf %scan3A_396#0, %mul3A_398 : vector<16xf32>
      %swap3A_400 = arith.index_cast %add3A_353 : i32 to index
      %swap3A_401 = arith.constant 0 : index
      %swap3A_402 = tpu.vector_load %arg7[%swap3A_400, %swap3A_401] {strides = array<i32>} : memref<128x64xf32, #tpu.memory_space<vmem>>, vector<1x16xf32>,
      %swap3A_403 = vector.shape_cast %swap3A_402 : vector<1x16xf32> to vector<16xf32>
      %swap3A_404 = vector.shape_cast %mul3A_399 : vector<16xf32> to vector<1x16xf32>
      tpu.vector_store %arg7[%swap3A_400, %swap3A_401], %swap3A_404 {strides = array<i32>} : memref<128x64xf32, #tpu.memory_space<vmem>>, vector<1x16xf32>,
      %mul3A_405 = vector.broadcast %scan3A_100 : f32 to vector<16xf32>
      %mul3A_406 = arith.mulf %scan3A_396#1, %mul3A_405 : vector<16xf32>
      %swap3A_407 = arith.index_cast %add3A_353 : i32 to index
      %swap3A_408 = arith.constant 16 : index
      %swap3A_409 = tpu.vector_load %arg7[%swap3A_407, %swap3A_408] {strides = array<i32>} : memref<128x64xf32, #tpu.memory_space<vmem>>, vector<1x16xf32>,
      %swap3A_410 = vector.shape_cast %swap3A_409 : vector<1x16xf32> to vector<16xf32>
      %swap3A_411 = vector.shape_cast %mul3A_406 : vector<16xf32> to vector<1x16xf32>
      tpu.vector_store %arg7[%swap3A_407, %swap3A_408], %swap3A_411 {strides = array<i32>} : memref<128x64xf32, #tpu.memory_space<vmem>>, vector<1x16xf32>,
      %mul3A_412 = vector.broadcast %scan3A_100 : f32 to vector<16xf32>
      %mul3A_413 = arith.mulf %scan3A_396#2, %mul3A_412 : vector<16xf32>
      %swap3A_414 = arith.index_cast %add3A_353 : i32 to index
      %swap3A_415 = arith.constant 32 : index
      %swap3A_416 = tpu.vector_load %arg7[%swap3A_414, %swap3A_415] {strides = array<i32>} : memref<128x64xf32, #tpu.memory_space<vmem>>, vector<1x16xf32>,
      %swap3A_417 = vector.shape_cast %swap3A_416 : vector<1x16xf32> to vector<16xf32>
      %swap3A_418 = vector.shape_cast %mul3A_413 : vector<16xf32> to vector<1x16xf32>
      tpu.vector_store %arg7[%swap3A_414, %swap3A_415], %swap3A_418 {strides = array<i32>} : memref<128x64xf32, #tpu.memory_space<vmem>>, vector<1x16xf32>,
      %mul3A_419 = vector.broadcast %scan3A_100 : f32 to vector<16xf32>
      %mul3A_420 = arith.mulf %scan3A_396#3, %mul3A_419 : vector<16xf32>
      %swap3A_421 = arith.index_cast %add3A_353 : i32 to index
      %swap3A_422 = arith.constant 48 : index
      %swap3A_423 = tpu.vector_load %arg7[%swap3A_421, %swap3A_422] {strides = array<i32>} : memref<128x64xf32, #tpu.memory_space<vmem>>, vector<1x16xf32>,
      %swap3A_424 = vector.shape_cast %swap3A_423 : vector<1x16xf32> to vector<16xf32>
      %swap3A_425 = vector.shape_cast %mul3A_420 : vector<16xf32> to vector<1x16xf32>
      tpu.vector_store %arg7[%swap3A_421, %swap3A_422], %swap3A_425 {strides = array<i32>} : memref<128x64xf32, #tpu.memory_space<vmem>>, vector<1x16xf32>,
      %add3A_426 = arith.constant 4 : i32
      %add3A_427 = arith.addi %add3A_353, %add3A_426 : i32
      %lt3A_428 = arith.constant 128 : i32
      %lt3A_429 = arith.cmpi slt, %add3A_427, %lt3A_428 : i32
      %convert_element_type3A_430 = arith.extui %lt3A_429 : i1 to i32
      %cond3A_431 = arith.constant 0 : i32
      %cond3A_432 = arith.cmpi ne, %convert_element_type3A_430, %cond3A_431 : i32
      scf.if %cond3A_432 {
        %add3A_433 = arith.constant 4 : i32
        %add3A_434 = arith.addi %add3A_353, %add3A_433 : i32
        %mul3A_435 = arith.constant 2 : i32
        %mul3A_436 = arith.muli %add3A_434, %mul3A_435 : i32
        %add3A_437 = arith.constant 0 : i32
        %add3A_438 = arith.addi %mul3A_436, %add3A_437 : i32
        %dma_start3A_439 = arith.constant 3 : i32
        %dma_start3A_440 = arith.constant 0 : i32
        %dma_start3A_441 = arith.constant 0 : i32
        %dma_start3A_442 = tpu.memref_slice %arg6[%dma_start3A_439, %dma_start3A_440, %dma_start3A_441] : memref<4x200x64xf32, #tpu.memory_space<vmem>> -> memref<1x100x64xf32, #tpu.memory_space<vmem>>
        %dma_start3A_443 = tpu.memref_squeeze %dma_start3A_442 : memref<1x100x64xf32, #tpu.memory_space<vmem>> -> memref<100x64xf32, #tpu.memory_space<vmem>>
        %dma_start3A_444 = arith.constant 0 : i32
        %dma_start3A_445 = tpu.memref_slice %arg5[%add3A_438, %dma_start3A_444] : memref<256x100xi32, #tpu.memory_space<vmem>> -> memref<1x100xi32, #tpu.memory_space<vmem>>
        %dma_start3A_446 = tpu.memref_squeeze %dma_start3A_445 : memref<1x100xi32, #tpu.memory_space<vmem>> -> memref<100xi32, #tpu.memory_space<vmem>>
        %dma_start3A_447 = arith.constant 0 : i32
        %dma_start3A_448 = arith.constant 0 : i32
        %dma_start3A_449 = tpu.memref_slice %arg3[%dma_start3A_447, %dma_start3A_448] : memref<1000000x64xf32, #tpu.memory_space<hbm>> -> memref<1000000x64xf32, #tpu.memory_space<hbm>>
        tpu.enqueue_indirect_dma source(%dma_start3A_449 : memref<1000000x64xf32, #tpu.memory_space<hbm>>) target(%dma_start3A_443 : memref<100x64xf32, #tpu.memory_space<vmem>>) offsets(%dma_start3A_446 : memref<100xi32, #tpu.memory_space<vmem>>) semaphore(%arg11 : memref<!tpu.dma_semaphore, #tpu.memory_space<semaphore_mem>>)
        %mul3A_450 = arith.constant 2 : i32
        %mul3A_451 = arith.muli %add3A_434, %mul3A_450 : i32
        %add3A_452 = arith.constant 1 : i32
        %add3A_453 = arith.addi %mul3A_451, %add3A_452 : i32
        %dma_start3A_454 = arith.constant 3 : i32
        %dma_start3A_455 = arith.constant 100 : i32
        %dma_start3A_456 = arith.constant 0 : i32
        %dma_start3A_457 = tpu.memref_slice %arg6[%dma_start3A_454, %dma_start3A_455, %dma_start3A_456] : memref<4x200x64xf32, #tpu.memory_space<vmem>> -> memref<1x100x64xf32, #tpu.memory_space<vmem>>
        %dma_start3A_458 = tpu.memref_squeeze %dma_start3A_457 : memref<1x100x64xf32, #tpu.memory_space<vmem>> -> memref<100x64xf32, #tpu.memory_space<vmem>>
        %dma_start3A_459 = arith.constant 0 : i32
        %dma_start3A_460 = tpu.memref_slice %arg5[%add3A_453, %dma_start3A_459] : memref<256x100xi32, #tpu.memory_space<vmem>> -> memref<1x100xi32, #tpu.memory_space<vmem>>
        %dma_start3A_461 = tpu.memref_squeeze %dma_start3A_460 : memref<1x100xi32, #tpu.memory_space<vmem>> -> memref<100xi32, #tpu.memory_space<vmem>>
        %dma_start3A_462 = arith.constant 0 : i32
        %dma_start3A_463 = arith.constant 0 : i32
        %dma_start3A_464 = tpu.memref_slice %arg3[%dma_start3A_462, %dma_start3A_463] : memref<1000000x64xf32, #tpu.memory_space<hbm>> -> memref<1000000x64xf32, #tpu.memory_space<hbm>>
        tpu.enqueue_indirect_dma source(%dma_start3A_464 : memref<1000000x64xf32, #tpu.memory_space<hbm>>) target(%dma_start3A_458 : memref<100x64xf32, #tpu.memory_space<vmem>>) offsets(%dma_start3A_461 : memref<100xi32, #tpu.memory_space<vmem>>) semaphore(%arg11 : memref<!tpu.dma_semaphore, #tpu.memory_space<semaphore_mem>>)
      } else {
      }
    }
    %scan3A_105 = arith.constant 32 : i32
    "tpu.region"() ({
      %run_scoped3A = tpu.sem_alloc : memref<!tpu.dma_semaphore, #tpu.memory_space<semaphore_mem>>
      %dma_start3A_106 = arith.constant 0 : i32
      %dma_start3A_107 = tpu.memref_slice %arg4[%mul3A_2, %dma_start3A_106] : memref<4096x64xf32, #tpu.memory_space<hbm>> -> memref<128x64xf32, #tpu.memory_space<hbm>>
      %dma_start3A_108 = arith.constant 0 : i32
      %dma_start3A_109 = tpu.memref_slice %arg4[%mul3A_2, %dma_start3A_108] : memref<4096x64xf32, #tpu.memory_space<hbm>> -> memref<128x64xf32, #tpu.memory_space<hbm>>
      tpu.enqueue_dma source(%arg7 : memref<128x64xf32, #tpu.memory_space<vmem>>) target(%dma_start3A_109 : memref<128x64xf32, #tpu.memory_space<hbm>>) target_semaphore(%run_scoped3A : memref<!tpu.dma_semaphore, #tpu.memory_space<semaphore_mem>>)
      %dma_wait3A = arith.constant 0 : i32
      %dma_wait3A_110 = tpu.memref_slice %arg4[%mul3A_2, %dma_wait3A] : memref<4096x64xf32, #tpu.memory_space<hbm>> -> memref<128x64xf32, #tpu.memory_space<hbm>>
      %dma_wait3A_111 = arith.constant 0 : i32
      %dma_wait3A_112 = tpu.memref_slice %arg4[%mul3A_2, %dma_wait3A_111] : memref<4096x64xf32, #tpu.memory_space<hbm>> -> memref<128x64xf32, #tpu.memory_space<hbm>>
      tpu.wait_dma2 semaphore(%run_scoped3A : memref<!tpu.dma_semaphore, #tpu.memory_space<semaphore_mem>>) src(%arg7 : memref<128x64xf32, #tpu.memory_space<vmem>>) dst(%dma_wait3A_112 : memref<128x64xf32, #tpu.memory_space<hbm>>)
      tpu.yield
    }) : () -> ()
    return
  }
}

</mosaic_0001>

<sc_bundles>
// kernel: kernel.3.cloned.1.call-start
scs
__scs_entry_jumppad:
0x0: {  	(pc) =	sbr.rel $0x88, $3  }
0x1: {  	(tag) =	ssettag $0x0;
	lr =	simm.s32 $0x1  }
0x2: {  	[smem:$0x3F9F] =	sst lr;
	_ =	strace $0xD0000000  }
0x3: {  	_ = 	snop  }
0x4: {  	_ = 	snop  }
0x5: {  	_ = 	snop  }
0x6: {  	_ = 	snop  }
0x7: {  	_ = 	snop  }
__scs_overlays_trampoline_lowered:
0x8: {  	[smem:$0x3FAE] =	sst s0  }
0x9: {  	[smem:$0x3FAF] =	sst s1  }
0xa: {  	[smem:$0x3FB0] =	sst s2  }
0xb: {  	[smem:$0x3FB1] =	sst s3  }
0xc: {  	[smem:$0x3FB2] =	sst s4  }
0xd: {  	[smem:$0x3FB3] =	sst s5  }
0xe: {  	[smem:$0x3FB4] =	sst s6  }
0xf: {  	[smem:$0x3FB5] =	sst s7  }
0x10: {  	[smem:$0x3FB6] =	sst s8  }
0x11: {  	[smem:$0x3FB7] =	sst s9;
	s0 =	simm.s32 @!p0 $0x0  }
0x12: {  	s1 =	sld [smem:$0x3F9D];
	s0 =	simm.s32 @p0 $0x1  }
0x13: {  	[smem:$0x3FB8] =	sst s0;
	s0 =	simm.s32 @!p1 $0x0  }
0x14: {  	s2 =	sld [smem:$0x3F9C];
	s0 =	simm.s32 @p1 $0x1  }
0x15: {  	[smem:$0x3FB9] =	sst s0;
	s0 =	simm.s32 @!p2 $0x0  }
0x16: {  	s3 =	sld [smem:$0x3FDB];
	s0 =	simm.s32 @p2 $0x1  }
0x17: {  	s4 =	simm.s32 $0x1BF5;
	[smem:$0x3FBB] =	sst s0  }
0x18: {  	s0 =	sld [smem:$0x3F9E];
	_ =	swait.ge [sflag:s4], $0x0  }
0x19: {  	s7 =	sld [smem:$0x3F9F]  }
0x1a: {  	s8 =	sadd.s32 $0xFFFFE003, lr  }
0x1b: {  	s9 =	sadd.s32 $0xFFFFFEF7, lr;
	s5 =	simm.s32 $0xFFFFFFFF;
	p2 =	slt.u32 s8, $0xFFFFF086  }
0x1c: {  	p1 =	slt.u32 s9, $0xF7A;
	s5 =	simm.s32 @!p2 $0x0  }
0x1d: {  	s5 =	simm.s32 @p1 $0x1;
	p0 =	seq.s32 s7, s2  }
0x1e: {  	s7 =	smul.u32 @!p0 $0xF7A, s2;
	p2 =	seq.s32 @!p0 s5, $0x0  }
0x1f: {  	s9 =	smul.u32 $0xF7A, s1;
	s8 =	simm.s32 @!p0 $0x1BF5;
	p2 =	por !p2, p0  }
0x20: {  	[sflag:s8] =	ssyncset.s32 @!p0 $0xFFFFF086;
	s6 =	sadd.s32 @!p0 s3, s7;
	s7 =	simm.s32 @!p0 $0x108  }
0x21: {  	s3 =	sadd.s32 s3, s9;
	s6 =	sadd.s32 @!p0 $0x88, s6;
	s7 =	simm.s32 @p2 $0x1082  }
0x22: {  	[simem:s7], [sflag:s8] =	dma.local @!p0 [hbm:s6], $0xF7A  }
0x23: {  	s9 =	sor.u32 $0xD0000000, s2;
	s6 =	simm.s32 $0x108;
	_ =	swait.ge @!p0 [sflag:s8], $0x0  }
0x24: {  	s3 =	sadd.s32 $0x88, s3;
	s6 =	simm.s32 @!p1 $0x1082;
	[sflag:s4] =	ssyncset.s32 $0xFFFFF086  }
0x25: {  	[simem:s6], [sflag:s4] =	dma.local [hbm:s3], $0xF7A  }
0x26: {  	[smem:$0x3F9F] =	sst s1;
	(tag) =	ssettag s2;
	_ =	strace s9  }
0x27: {  	s1 =	sld [smem:$0x3FAF]  }
0x28: {  	s2 =	sld [smem:$0x3FB0]  }
0x29: {  	s4 =	sld [smem:$0x3FB2]  }
0x2a: {  	p0 =	seq.s32 s5, $0x0;
	s5 =	sld [smem:$0x3FB3]  }
0x2b: {  	s6 =	sld [smem:$0x3FB4]  }
0x2c: {  	s7 =	sld [smem:$0x3FB5]  }
0x2d: {  	s3 =	simm.s32 $0x108;
	s8 =	sld [smem:$0x3FB6]  }
0x2e: {  	s3 =	simm.s32 @!p0 $0x1082;
	s9 =	sld [smem:$0x3FB7]  }
0x2f: {  	lr =	sadd.s32 s0, s3;
	s0 =	sld [smem:$0x3FAE]  }
0x30: {  	s3 =	sld [smem:$0x3FB1]  }
0x31: {  	[smem:$0x3FBA] =	sst s10  }
0x32: {  	s10 =	sld [smem:$0x3FB8];
	_ =	sdelay $0x3  }
0x33: {  	p0 =	seq.s32 s10, $0x1;
	s10 =	sld [smem:$0x3FBA];
	_ =	sdelay $0x3  }
0x34: {  	[smem:$0x3FBA] =	sst s10  }
0x35: {  	s10 =	sld [smem:$0x3FB9];
	_ =	sdelay $0x3  }
0x36: {  	p1 =	seq.s32 s10, $0x1;
	s10 =	sld [smem:$0x3FBA];
	_ =	sdelay $0x3  }
0x37: {  	[smem:$0x3FBA] =	sst s10  }
0x38: {  	s10 =	sld [smem:$0x3FBB]  }
0x39: {  	_ = 	snop;
	(pc) =	sbr.ind lr, $3  }
0x3a: {  	_ = 	snop  }
0x3b: {  	_ = 	snop  }
0x3c: {  	p2 =	seq.s32 s10, $0x1;
	s10 =	sld [smem:$0x3FBA]  }
0x3d: {  	_ =	shalt  }
0x3e: {  	_ =	shalt  }
0x3f: {  	_ =	shalt  }
0x40: {  	_ =	shalt  }
0x41: {  	_ =	shalt  }
0x42: {  	_ =	shalt  }
0x43: {  	_ =	shalt  }
0x44: {  	_ =	shalt  }
0x45: {  	_ =	shalt  }
0x46: {  	_ =	shalt  }
0x47: {  	_ =	shalt  }
0x48: {  	_ =	shalt  }
0x49: {  	_ =	shalt  }
0x4a: {  	_ =	shalt  }
0x4b: {  	_ =	shalt  }
0x4c: {  	_ =	shalt  }
0x4d: {  	_ =	shalt  }
0x4e: {  	_ =	shalt  }
0x4f: {  	_ =	shalt  }
0x50: {  	_ =	shalt  }
0x51: {  	_ =	shalt  }
0x52: {  	_ =	shalt  }
0x53: {  	_ =	shalt  }
0x54: {  	_ =	shalt  }
0x55: {  	_ =	shalt  }
0x56: {  	_ =	shalt  }
0x57: {  	_ =	shalt  }
0x58: {  	_ =	shalt  }
0x59: {  	_ =	shalt  }
0x5a: {  	_ =	shalt  }
0x5b: {  	_ =	shalt  }
0x5c: {  	_ =	shalt  }
0x5d: {  	_ =	shalt  }
0x5e: {  	_ =	shalt  }
0x5f: {  	_ =	shalt  }
0x60: {  	_ =	shalt  }
0x61: {  	_ =	shalt  }
0x62: {  	_ =	shalt  }
0x63: {  	_ =	shalt  }
0x64: {  	_ =	shalt  }
0x65: {  	_ =	shalt  }
0x66: {  	_ =	shalt  }
0x67: {  	_ =	shalt  }
0x68: {  	_ =	shalt  }
0x69: {  	_ =	shalt  }
0x6a: {  	_ =	shalt  }
0x6b: {  	_ =	shalt  }
0x6c: {  	_ =	shalt  }
0x6d: {  	_ =	shalt  }
0x6e: {  	_ =	shalt  }
0x6f: {  	_ =	shalt  }
0x70: {  	_ =	shalt  }
0x71: {  	_ =	shalt  }
0x72: {  	_ =	shalt  }
0x73: {  	_ =	shalt  }
0x74: {  	_ =	shalt  }
0x75: {  	_ =	shalt  }
0x76: {  	_ =	shalt  }
0x77: {  	_ =	shalt  }
0x78: {  	_ =	shalt  }
0x79: {  	_ =	shalt  }
0x7a: {  	_ =	shalt  }
0x7b: {  	_ =	shalt  }
0x7c: {  	_ =	shalt  }
0x7d: {  	_ =	shalt  }
0x7e: {  	_ =	shalt  }
0x7f: {  	_ =	shalt  }
0x80: {  	_ =	shalt  }
0x81: {  	_ =	shalt  }
0x82: {  	_ =	shalt  }
0x83: {  	_ =	shalt  }
0x84: {  	_ =	shalt  }
0x85: {  	_ =	shalt  }
0x86: {  	_ =	shalt  }
0x87: {  	_ =	shalt  }
.Lfunc_end0:
.L_simem_size_0:
called_computation_lowered:
.L_overlay_start_0:
0x88: {  	s2 =	sld [smem:$0x3FD9]  }
0x89: {  	s3 =	sld [smem:$0x3FFE];
	_ =	sdelay $0x1  }
0x8a: {  	s1 =	srdreg.scid  }
0x8b: {  	s0 =	sand.u32 $0x1, s1  }
0x8c: {  	s17 =	sshll.u32 s0, $0xA;
	s2 =	sadd.s32 s3, s2  }
0x8d: {  	s2 =	sadd.s32 s2, s17  }
0x8e: {  	[smem:$0x3FC6] =	sst s2  }
0x8f: {  	_ = 	snop  }
0x90: {  	s2 =	sld [smem:$0x3FD0];
	(tm) =	ssettm $0x1  }
0x91: {  	s18 =	sld [smem:$0x3FFB];
	_ =	sdelay $0x3  }
0x92: {  	_ =	strace s18  }
0x93: {  	s3 =	sld [smem:$0x3FFC];
	_ =	sdelay $0x3  }
0x94: {  	_ =	strace s3  }
0x95: {  	s3 =	sld [smem:$0x3FFD];
	_ =	sdelay $0x3  }
0x96: {  	_ =	strace s3  }
0x97: {  	_ =	strace $0x8FFFFFFF  }
0x98: {  	s19 =	sld [smem:$0x3FDB];
	_ =	sdelay $0x1  }
0x99: {  	s4 =	simm.s32 $_scs_section_size  }
0x9a: {  	s5 =	simm.s32 $_size__tile_overlayer_lowered;
	s6 =	simm.s32 $_tile_overlayer_lowered  }
0x9b: {  	s22 =	simm.s32 $0x1BFF;
	s21 =	sshll.u32 s6, $0x1;
	s3 =	sadd.s32 s4, s19  }
0x9c: {  	s7 =	simm.s32 $0x0;
	s20 =	sshll.u32 s5, $0x1;
	s5 =	sadd.s32 s21, s3  }
0x9d: {  	[timem:s7], [sflag:s22] =	dma.local [hbm:s5], s20  }
0x9e: {  	_ =	swait.ge [sflag:s22], s20  }
0x9f: {  	s4 =	ssub.s32 $0x0, s20;
	[sflag:s22] =	ssyncset.done $0x0  }
0xa0: {  	[sflag:s22] =	ssyncadd.s32 s4;
	_ =	sdelay $0x1  }
0xa1: {  	s23 =	simm.s32 $0x1B8B  }
0xa2: {  	_ =	swait.ge [sflag:s23], $0x1  }
0xa3: {  	[sflag:s23] =	ssyncset.done $0x0  }
0xa4: {  	s25 =	simm.s32 $0x1B8E;
	s24 =	sld [smem:$0x3FFE];
	[sflag:s23] =	ssyncadd.s32 $0xFFFFFFFF  }
0xa5: {  	s26 =	simm.s32 $execute0_lowered;
	[smem:$0x3FD2] =	sst s25  }
0xa6: {  	s5 =	sshll.u32 s26, $0x1;
	_ =	strace $0x80000046;
	[dreg:$0x1] =	wrdreg $0xFFFFFFFF  }
0xa7: {  	s28 =	simm.s32 $_size_execute0_lowered;
	s3 =	sadd.s32 s3, s5;
	[dreg:$0x0] =	wrdreg $0x0  }
0xa8: {  	s5 =	sshll.u32 s28, $0x1;
	[dreg:$0x2] =	wrdreg s3  }
0xa9: {  	[dreg:$0x3] =	wrdreg s5  }
0xaa: {  	[dreg:$0x4] =	wrdreg $0xC0  }
0xab: {  	_ =	task [dreg:s7], $0x5FFFF  }
0xac: {  	[dreg:$0x1] =	wrdreg $0xFFFFFFFF  }
0xad: {  	[dreg:$0x0] =	wrdreg $0x60  }
0xae: {  	[dreg:$0x2] =	wrdreg s24  }
0xaf: {  	[dreg:$0x3] =	wrdreg s2  }
0xb0: {  	[dreg:$0x4] =	wrdreg $0x9  }
0xb1: {  	_ =	task.clear_ibuf [dreg:s7], $0x5FFFF;
	_ =	strace $0x90000046  }
0xb2: {  	s29 =	simm.s32 $0x9;
	_ =	strace $0x80000048  }
0xb3: {  	_ =	swait.ge [sflag:s29], $0x1  }
0xb4: {  	[sflag:s29] =	ssyncadd.s32 $0xFFFFFFFF  }
0xb5: {  	_ =	strace $0x90000048  }
0xb6: {  	_ =	sfence  }
0xb7: {  	s30 =	sld [smem:$0x0];
	_ =	sdelay $0x2  }
0xb8: {  	s31 =	sshll.u32 s1, $0xD;
	s1 =	sshrl.u32 s1, $0x2  }
0xb9: {  	s3 =	sand.u32 $0x4000, s31;
	s1 =	sadd.s32 s1, s30  }
0xba: {  	s0 =	sor.u32 s3, s0;
	s1 =	sshll.u32 s1, $0x11  }
0xbb: {  	s0 =	sor.u32 s1, s0  }
0xbc: {  	s0 =	sadd.s32 $0x8F2B, s0  }
0xbd: {  	[sflag:s0] =	ssyncadd.remote.s32 $0x1  }
0xbe: {  	_ =	sfence.sel $0xFFFF  }
0xbf: {  	[dreg:$0x0] =	wrdreg $0xFFFFFFFF;
	(pc) =	sbr.abs _section_cstart, $3  }
0xc0: {  	[dreg:$0x1] =	wrdreg $0xFFFFFFFF  }
0xc1: {  	_ =	task.clear_ibuf [dreg:s7], $0x2FFFF;
	_ =	strace $0x9FFFFFFF  }
0xc2: {  	(tm) =	ssettm $0x7FFFFFFF  }
0xc3: {  	_ =	shalt  }
tec
execute0_lowered:
.L_overlay_start_1:
0x0: {  	(tag) =	ssettag $0x1  }
0x1: {  	s0 =	srdreg.scid;
	s1 =	rddreg [dreg:$0x0]  }
0x2: {  	s2 =	stileid.u32;
	s5 =	rddreg [dreg:$0x1];
	s8 =	simm.s32 $0x64  }
0x3: {  	s12 =	simm.s32 $0xD0;
	s13 =	simm.s32 $0x9A00;
	s14 =	simm.s32 $0x138  }
0x4: {  	s15 =	simm.s32 $0xB300;
	s16 =	simm.s32 $0x1A0;
	s17 =	simm.s32 $0xCC00  }
0x5: {  	s18 =	simm.s32 $0x208;
	s19 =	simm.s32 $0xE500;
	s20 =	simm.s32 $0x270  }
0x6: {  	s21 =	simm.s32 $0xFE00;
	s22 =	simm.s32 $0x2D8;
	s23 =	simm.s32 $0x11700  }
0x7: {  	s24 =	simm.s32 $0x1;
	s25 =	simm.s32 $0x2;
	s26 =	simm.s32 $0x3  }
0x8: {  	s28 =	simm.s32 $0x4;
	s0 =	sand.u32 $0x1, s0;
	s2 =	sshll.u32 s2, $0x1  }
0x9: {  	s29 =	simm.s32 $0x13000;
	s30 =	simm.s32 $0x0;
	s4 =	sor.u32 s0, s2  }
.Ltmp0:
0xa: {  	s2 =	simm.s32 $0x0;
	s0 =	ssub.s32 $0x2, s0;
	(pc) =	sbr.rel .LBB2_1-.Ltmp0, $4  }
0xb: {  	s3 =	smul.u32 $0xD00, s4;
	[smem:$0x7FF] =	sst s2;
	s31 =	sshrl.u32 s0, $0x1  }
0xc: {  	s7 =	sshll.u32 s4, $0xA;
	_ =	strace $0x80000047;
	s0 =	ssub.s32 s0, s31  }
0xd: {  	s5 =	sadd.s32 s5, s7;
	s7 =	simm.s32 $0x5;
	s6 =	sadd.s32 s3, s1  }
0xe: {  	s3 =	sadd.s32 $0xF42A00, s1;
	s4 =	sadd.s32 $0x600, s6;
	s6 =	smax.u32 s0, $0x1  }
.LBB2_12:
0xf: {  	s30 =	sadd.s32 $0x1, s30  }
0x10: {  	p0 =	sne.s32 s30, s6  }
.Ltmp1:
0x11: {  	_ = 	snop;
	(pc) =	sbr.rel @!p0 .LBB2_13-.Ltmp1, $4  }
0x12: {  	[hbm4b:s5+s2] =	stream.linear.scatter [tilespmem:s29], [sflag:$0x5], $0x2000, $0x38;
	[tilespmem:$0x15000] =	vst v63  }
0x13: {  	_ =	swait.ge [sflag:s7], $0x2000  }
0x14: {  	[sflag:s7] =	ssyncset.done $0x0  }
0x15: {  	[sflag:s7] =	ssyncadd.s32 $0xFFFFE000  }
.LBB2_1:
0x16: {  	[tilespmem:s2], [sflag:$0x5] =	stream.linear.gather [hbm4b:s4+s2], $0x6800, $0x38;
	[tilespmem:$0x15000] =	vst v63  }
0x17: {  	_ =	swait.ge [sflag:s7], $0x6800  }
0x18: {  	[sflag:s7] =	ssyncset.done $0x0  }
0x19: {  	s0 =	simm.s32 $0x6800;
	[sflag:s7] =	ssyncadd.s32 $0xFFFF9800  }
0x1a: {  	[tilespmem:s0], [sflag:$0x1] =	stream.indirect.gather [hbm4b:s3+s8], $0x40, s2, s8, $0xb8;
	[tilespmem:$0x15000] =	vst v63  }
0x1b: {  	s11 =	simm.s32 $0x68;
	s1 =	simm.s32 $0x8100  }
0x1c: {  	[tilespmem:s1], [sflag:$0x1] =	stream.indirect.gather [hbm4b:s3+s8], $0x40, s11, s8, $0xb8;
	[tilespmem:$0x15000] =	vst v63  }
0x1d: {  	_ = 	snop  }
0x1e: {  	[tilespmem:s13], [sflag:$0x2] =	stream.indirect.gather [hbm4b:s3+s8], $0x40, s12, s8, $0xb8;
	[tilespmem:$0x15000] =	vst v63  }
0x1f: {  	_ = 	snop  }
0x20: {  	[tilespmem:s15], [sflag:$0x2] =	stream.indirect.gather [hbm4b:s3+s8], $0x40, s14, s8, $0xb8;
	[tilespmem:$0x15000] =	vst v63  }
0x21: {  	_ = 	snop  }
0x22: {  	[tilespmem:s17], [sflag:$0x3] =	stream.indirect.gather [hbm4b:s3+s8], $0x40, s16, s8, $0xb8;
	[tilespmem:$0x15000] =	vst v63  }
0x23: {  	_ = 	snop  }
0x24: {  	[tilespmem:s19], [sflag:$0x3] =	stream.indirect.gather [hbm4b:s3+s8], $0x40, s18, s8, $0xb8;
	[tilespmem:$0x15000] =	vst v63  }
0x25: {  	_ = 	snop  }
0x26: {  	[tilespmem:s21], [sflag:$0x4] =	stream.indirect.gather [hbm4b:s3+s8], $0x40, s20, s8, $0xb8;
	[tilespmem:$0x15000] =	vst v63  }
0x27: {  	s31 =	simm.s32 $0x0  }
0x28: {  	[tilespmem:s23], [sflag:$0x4] =	stream.indirect.gather [hbm4b:s3+s8], $0x40, s22, s8, $0xb8;
	[tilespmem:$0x15000] =	vst v63  }
.LBB2_2:
0x29: {  	_ =	swait.ge [sflag:s24], $0x1900  }
0x2a: {  	[sflag:s24] =	ssyncset.done $0x0  }
0x2b: {  	[sflag:s24] =	ssyncadd.s32 $0xFFFFE700  }
0x2c: {  	_ =	swait.ge [sflag:s24], $0x1900  }
0x2d: {  	[sflag:s24] =	ssyncset.done $0x0  }
0x2e: {  	s1 =	simm.s32 $0x6900;
	[sflag:s24] =	ssyncadd.s32 $0xFFFFE700  }
0x2f: {  	v0 =	vld [tilespmem:s1+$0xC0]  }
0x30: {  	v1 =	vld [tilespmem:s1+$0xD0]  }
0x31: {  	v2 =	vld [tilespmem:s1+$0x80]  }
0x32: {  	v3 =	vld [tilespmem:s1+$0x90]  }
0x33: {  	v9 =	vld [tilespmem:s1+$0x40]  }
0x34: {  	v12 =	vld [tilespmem:s1+$0x50]  }
0x35: {  	v7 =	vld [tilespmem:s1+$0x0]  }
0x36: {  	v8 =	vld [tilespmem:s1+$0x10]  }
0x37: {  	v5 =	vld [tilespmem:s1+$0xFFFFFFC0]  }
0x38: {  	v6 =	vld [tilespmem:s1+$0xFFFFFFD0]  }
0x39: {  	v4 =	vld [tilespmem:s1+$0xFFFFFF80]  }
0x3a: {  	v10 =	vld [tilespmem:s1+$0xFFFFFF90]  }
0x3b: {  	v11 =	vld [tilespmem:s1+$0xFFFFFF40]  }
0x3c: {  	v13 =	vld [tilespmem:s1+$0xFFFFFF50]  }
0x3d: {  	v14 =	vld [tilespmem:s1+$0xFFFFFF00]  }
0x3e: {  	v15 =	vld [tilespmem:s1+$0xFFFFFF10]  }
0x3f: {  	v16 =	vld [tilespmem:s1+$0xFFFFFF20]  }
0x40: {  	v17 =	vld [tilespmem:s1+$0xFFFFFF30]  }
0x41: {  	v18 =	vld [tilespmem:s1+$0xFFFFFF60]  }
0x42: {  	v19 =	vld [tilespmem:s1+$0xFFFFFF70]  }
0x43: {  	v20 =	vimm.f32 $0.0e+00;
	v21 =	vld [tilespmem:s1+$0xFFFFFFA0]  }
0x44: {  	v22 =	vld [tilespmem:s1+$0xFFFFFFB0];
	v14 =	vadd.f32 v14, v20;
	v15 =	vadd.f32 v15, v20  }
0x45: {  	v59 =	vld [tilespmem:s1+$0xFFFFFFE0];
	v16 =	vadd.f32 v16, v20;
	v17 =	vadd.f32 v17, v20  }
0x46: {  	v11 =	vadd.f32 v11, v14;
	v13 =	vadd.f32 v13, v15;
	v14 =	vld [tilespmem:s1+$0xFFFFFFF0]  }
0x47: {  	v61 =	vld [tilespmem:s1+$0x20];
	v15 =	vadd.f32 v18, v16;
	v60 =	vadd.f32 v19, v17  }
0x48: {  	v11 =	vadd.f32 v4, v11;
	v10 =	vadd.f32 v10, v13;
	v13 =	vld [tilespmem:s1+$0x30]  }
0x49: {  	v15 =	vadd.f32 v21, v15;
	v16 =	vadd.f32 v22, v60;
	v4 =	vld [tilespmem:s1+$0x60]  }
0x4a: {  	v11 =	vadd.f32 v5, v11;
	v10 =	vadd.f32 v6, v10;
	v6 =	vld [tilespmem:s1+$0x70]  }
0x4b: {  	v15 =	vadd.f32 v59, v15;
	v5 =	vld [tilespmem:s1+$0xA0];
	v14 =	vadd.f32 v14, v16  }
0x4c: {  	v62 =	vadd.f32 v7, v11;
	v63 =	vadd.f32 v8, v10;
	v8 =	vld [tilespmem:s1+$0xB0]  }
0x4d: {  	v11 =	vadd.f32 v61, v15;
	v7 =	vld [tilespmem:s1+$0xE0];
	v10 =	vadd.f32 v13, v14  }
0x4e: {  	s0 =	simm.s32 $0x0;
	v13 =	vadd.f32 v9, v62;
	v12 =	vadd.f32 v12, v63;
	v9 =	vld [tilespmem:s1+$0xF0];
	s1 =	simm.s32 $0x6B00  }
.LBB2_3:
0x4f: {  	v14 =	vld [tilespmem:s1+$0xC0];
	v4 =	vadd.f32 v4, v11;
	v6 =	vadd.f32 v6, v10  }
0x50: {  	v10 =	vld [tilespmem:s1+$0xD0];
	v11 =	vadd.f32 v2, v13;
	v12 =	vadd.f32 v3, v12  }
0x51: {  	v2 =	vld [tilespmem:s1+$0x80];
	v4 =	vadd.f32 v5, v4;
	v5 =	vadd.f32 v8, v6  }
0x52: {  	v3 =	vld [tilespmem:s1+$0x90];
	v6 =	vadd.f32 v0, v11;
	v8 =	vadd.f32 v1, v12  }
0x53: {  	v12 =	vld [tilespmem:s1+$0x40];
	v4 =	vadd.f32 v7, v4;
	v5 =	vadd.f32 v9, v5  }
0x54: {  	v9 =	vld [tilespmem:s1+$0x50];
	v0 =	vmov v14  }
0x55: {  	v7 =	vld [tilespmem:s1+$0x0];
	v1 =	vmov v10  }
0x56: {  	v10 =	vld [tilespmem:s1+$0x10]  }
0x57: {  	v11 =	vld [tilespmem:s1+$0xFFFFFFC0]  }
0x58: {  	v13 =	vld [tilespmem:s1+$0xFFFFFFD0]  }
0x59: {  	v14 =	vld [tilespmem:s1+$0xFFFFFF80]  }
0x5a: {  	v15 =	vld [tilespmem:s1+$0xFFFFFF90]  }
0x5b: {  	v16 =	vld [tilespmem:s1+$0xFFFFFF40]  }
0x5c: {  	v17 =	vld [tilespmem:s1+$0xFFFFFF50]  }
0x5d: {  	v18 =	vld [tilespmem:s1+$0xFFFFFF00]  }
0x5e: {  	v19 =	vld [tilespmem:s1+$0xFFFFFF10]  }
0x5f: {  	v20 =	vld [tilespmem:s1+$0xFFFFFF20]  }
0x60: {  	s0 =	sadd.s32 $0x8, s0;
	v21 =	vld [tilespmem:s1+$0xFFFFFF30]  }
0x61: {  	p0 =	slt.u32 s0, $0xC0;
	v22 =	vld [tilespmem:s1+$0xFFFFFF60]  }
0x62: {  	v23 =	vld [tilespmem:s1+$0xFFFFFF70]  }
0x63: {  	v24 =	vld [tilespmem:s1+$0xFFFFFFA0]  }
0x64: {  	v6 =	vadd.f32 v18, v6;
	v8 =	vadd.f32 v19, v8;
	v18 =	vld [tilespmem:s1+$0xFFFFFFB0]  }
0x65: {  	v4 =	vadd.f32 v20, v4;
	v5 =	vadd.f32 v21, v5;
	v19 =	vld [tilespmem:s1+$0xFFFFFFE0]  }
0x66: {  	v6 =	vadd.f32 v16, v6;
	v8 =	vadd.f32 v17, v8;
	v16 =	vld [tilespmem:s1+$0xFFFFFFF0]  }
0x67: {  	v4 =	vadd.f32 v22, v4;
	v5 =	vadd.f32 v23, v5;
	v17 =	vld [tilespmem:s1+$0x20]  }
0x68: {  	v6 =	vadd.f32 v14, v6;
	v8 =	vadd.f32 v15, v8;
	v14 =	vld [tilespmem:s1+$0x30]  }
0x69: {  	v15 =	vadd.f32 v24, v4;
	v5 =	vadd.f32 v18, v5;
	v4 =	vld [tilespmem:s1+$0x60]  }
.Ltmp2:
0x6a: {  	v11 =	vadd.f32 v11, v6;
	v8 =	vadd.f32 v13, v8;
	v6 =	vld [tilespmem:s1+$0x70];
	(pc) =	sbr.rel @p0 .LBB2_3-.Ltmp2, $4  }
0x6b: {  	v13 =	vadd.f32 v19, v15;
	v15 =	vadd.f32 v16, v5;
	v5 =	vld [tilespmem:s1+$0xA0]  }
0x6c: {  	v16 =	vadd.f32 v7, v11;
	v18 =	vadd.f32 v10, v8;
	v8 =	vld [tilespmem:s1+$0xB0]  }
0x6d: {  	v11 =	vadd.f32 v17, v13;
	v10 =	vadd.f32 v14, v15;
	v7 =	vld [tilespmem:s1+$0xE0]  }
0x6e: {  	v13 =	vadd.f32 v12, v16;
	v12 =	vadd.f32 v9, v18;
	v9 =	vld [tilespmem:s1+$0xF0];
	s1 =	sadd.s32 $0x200, s1  }
0x6f: {  	_ = 	snop  }
0x70: {  	v4 =	vadd.f32 v4, v11;
	v2 =	vadd.f32 v2, v13  }
0x71: {  	v6 =	vadd.f32 v6, v10;
	v3 =	vadd.f32 v3, v12  }
0x72: {  	v4 =	vadd.f32 v5, v4;
	v0 =	vadd.f32 v0, v2  }
0x73: {  	v2 =	vadd.f32 v8, v6;
	v1 =	vadd.f32 v1, v3  }
0x74: {  	s0 =	sshll.u32 s31, $0x8;
	v3 =	vadd.f32 v7, v4;
	v0 =	vmul.f32 $4.999999890e-03, v0  }
0x75: {  	p0 =	seq.s32 s31, $0x1F;
	s1 =	sand.u32 $0x3FFFFF00, s0;
	v2 =	vadd.f32 v9, v2;
	v1 =	vmul.f32 $4.999999890e-03, v1  }
0x76: {  	s0 =	smul.u32 @!p0 $0xD00, s31;
	[tilespmem:s1+$0x13000] =	vst v0;
	v0 =	vmul.f32 $4.999999890e-03, v3  }
0x77: {  	[tilespmem:s1+$0x13010] =	vst v1;
	v1 =	vmul.f32 $4.999999890e-03, v2  }
0x78: {  	s0 =	sshra.s32 @!p0 s0, $0x2;
	[tilespmem:s1+$0x13020] =	vst v0  }
0x79: {  	s10 =	simm.s32 @!p0 $0x64;
	s11 =	simm.s32 @!p0 $0x6800;
	s9 =	sadd.s32 @!p0 $0x340, s0;
	[tilespmem:s1+$0x13030] =	vst v1  }
0x7a: {  	[tilespmem:s11], [sflag:$0x1] =	stream.indirect.gather @!p0 [hbm4b:s3+s10], $0x40, s9, s10, $0xb8;
	[tilespmem:$0x15000] =	vst v63  }
0x7b: {  	s9 =	sadd.s32 @!p0 $0x3A8, s0;
	s11 =	simm.s32 @!p0 $0x8100  }
0x7c: {  	[tilespmem:s11], [sflag:$0x1] =	stream.indirect.gather @!p0 [hbm4b:s3+s10], $0x40, s9, s10, $0xb8;
	[tilespmem:$0x15000] =	vst v63  }
0x7d: {  	_ =	swait.ge [sflag:s25], $0x1900  }
0x7e: {  	[sflag:s25] =	ssyncset.done $0x0  }
0x7f: {  	[sflag:s25] =	ssyncadd.s32 $0xFFFFE700  }
0x80: {  	_ =	swait.ge [sflag:s25], $0x1900  }
0x81: {  	[sflag:s25] =	ssyncset.done $0x0  }
0x82: {  	s11 =	simm.s32 $0x9BF0;
	[sflag:s25] =	ssyncadd.s32 $0xFFFFE700  }
0x83: {  	v0 =	vld [tilespmem:s11+$0xFFFFFFD0]  }
0x84: {  	v1 =	vld [tilespmem:s11+$0xFFFFFFE0]  }
0x85: {  	v2 =	vld [tilespmem:s11+$0xFFFFFF90]  }
0x86: {  	v3 =	vld [tilespmem:s11+$0xFFFFFFA0]  }
0x87: {  	v9 =	vld [tilespmem:s11+$0xFFFFFF50]  }
0x88: {  	v12 =	vld [tilespmem:s11+$0xFFFFFF60]  }
0x89: {  	v7 =	vld [tilespmem:s11+$0xFFFFFF10]  }
0x8a: {  	v8 =	vld [tilespmem:s11+$0xFFFFFF20]  }
0x8b: {  	v5 =	vld [tilespmem:s11+$0xFFFFFED0]  }
0x8c: {  	v6 =	vld [tilespmem:s11+$0xFFFFFEE0]  }
0x8d: {  	v4 =	vld [tilespmem:s11+$0xFFFFFE90]  }
0x8e: {  	v10 =	vld [tilespmem:s11+$0xFFFFFEA0]  }
0x8f: {  	v11 =	vld [tilespmem:s11+$0xFFFFFE50]  }
0x90: {  	v13 =	vld [tilespmem:s11+$0xFFFFFE60]  }
0x91: {  	v14 =	vld [tilespmem:s11+$0xFFFFFE10]  }
0x92: {  	v15 =	vld [tilespmem:s11+$0xFFFFFE20]  }
0x93: {  	v16 =	vld [tilespmem:s11+$0xFFFFFE30]  }
0x94: {  	v17 =	vld [tilespmem:s11+$0xFFFFFE40]  }
0x95: {  	v18 =	vld [tilespmem:s11+$0xFFFFFE70]  }
0x96: {  	v19 =	vld [tilespmem:s11+$0xFFFFFE80]  }
0x97: {  	v20 =	vimm.f32 $0.0e+00;
	v21 =	vld [tilespmem:s11+$0xFFFFFEB0]  }
0x98: {  	v22 =	vld [tilespmem:s11+$0xFFFFFEC0];
	v14 =	vadd.f32 v14, v20;
	v15 =	vadd.f32 v15, v20  }
0x99: {  	v59 =	vld [tilespmem:s11+$0xFFFFFEF0];
	v16 =	vadd.f32 v16, v20;
	v17 =	vadd.f32 v17, v20  }
0x9a: {  	v11 =	vadd.f32 v11, v14;
	v13 =	vadd.f32 v13, v15;
	v14 =	vld [tilespmem:s11+$0xFFFFFF00]  }
0x9b: {  	v61 =	vld [tilespmem:s11+$0xFFFFFF30];
	v15 =	vadd.f32 v18, v16;
	v60 =	vadd.f32 v19, v17  }
0x9c: {  	v11 =	vadd.f32 v4, v11;
	v10 =	vadd.f32 v10, v13;
	v13 =	vld [tilespmem:s11+$0xFFFFFF40]  }
0x9d: {  	v15 =	vadd.f32 v21, v15;
	v16 =	vadd.f32 v22, v60;
	v4 =	vld [tilespmem:s11+$0xFFFFFF70]  }
0x9e: {  	v11 =	vadd.f32 v5, v11;
	v10 =	vadd.f32 v6, v10;
	v6 =	vld [tilespmem:s11+$0xFFFFFF80]  }
0x9f: {  	v15 =	vadd.f32 v59, v15;
	v5 =	vld [tilespmem:s11+$0xFFFFFFB0];
	v14 =	vadd.f32 v14, v16  }
0xa0: {  	v62 =	vadd.f32 v7, v11;
	v63 =	vadd.f32 v8, v10;
	v8 =	vld [tilespmem:s11+$0xFFFFFFC0]  }
0xa1: {  	v11 =	vadd.f32 v61, v15;
	v7 =	vld [tilespmem:s11+$0xFFFFFFF0];
	v10 =	vadd.f32 v13, v14  }
0xa2: {  	s9 =	simm.s32 $0x0;
	s10 =	simm.s32 $0x9DF0;
	v13 =	vadd.f32 v9, v62;
	v12 =	vadd.f32 v12, v63;
	v9 =	vld [tilespmem:s11+$0x0]  }
.LBB2_5:
0xa3: {  	v14 =	vld [tilespmem:s10+$0xFFFFFFD0];
	v4 =	vadd.f32 v4, v11;
	v6 =	vadd.f32 v6, v10  }
0xa4: {  	v10 =	vld [tilespmem:s10+$0xFFFFFFE0];
	v11 =	vadd.f32 v2, v13;
	v12 =	vadd.f32 v3, v12  }
0xa5: {  	v2 =	vld [tilespmem:s10+$0xFFFFFF90];
	v4 =	vadd.f32 v5, v4;
	v5 =	vadd.f32 v8, v6  }
0xa6: {  	v3 =	vld [tilespmem:s10+$0xFFFFFFA0];
	v6 =	vadd.f32 v0, v11;
	v8 =	vadd.f32 v1, v12  }
0xa7: {  	v12 =	vld [tilespmem:s10+$0xFFFFFF50];
	v4 =	vadd.f32 v7, v4;
	v5 =	vadd.f32 v9, v5  }
0xa8: {  	v9 =	vld [tilespmem:s10+$0xFFFFFF60];
	v0 =	vmov v14  }
0xa9: {  	v7 =	vld [tilespmem:s10+$0xFFFFFF10];
	v1 =	vmov v10  }
0xaa: {  	v10 =	vld [tilespmem:s10+$0xFFFFFF20]  }
0xab: {  	v11 =	vld [tilespmem:s10+$0xFFFFFED0]  }
0xac: {  	v13 =	vld [tilespmem:s10+$0xFFFFFEE0]  }
0xad: {  	v14 =	vld [tilespmem:s10+$0xFFFFFE90]  }
0xae: {  	v15 =	vld [tilespmem:s10+$0xFFFFFEA0]  }
0xaf: {  	v16 =	vld [tilespmem:s10+$0xFFFFFE50]  }
0xb0: {  	v17 =	vld [tilespmem:s10+$0xFFFFFE60]  }
0xb1: {  	v18 =	vld [tilespmem:s10+$0xFFFFFE10]  }
0xb2: {  	v19 =	vld [tilespmem:s10+$0xFFFFFE20]  }
0xb3: {  	v20 =	vld [tilespmem:s10+$0xFFFFFE30]  }
0xb4: {  	s9 =	sadd.s32 $0x8, s9;
	v21 =	vld [tilespmem:s10+$0xFFFFFE40]  }
0xb5: {  	p1 =	slt.u32 s9, $0xC0;
	v22 =	vld [tilespmem:s10+$0xFFFFFE70]  }
0xb6: {  	v23 =	vld [tilespmem:s10+$0xFFFFFE80]  }
0xb7: {  	v24 =	vld [tilespmem:s10+$0xFFFFFEB0]  }
0xb8: {  	v6 =	vadd.f32 v18, v6;
	v8 =	vadd.f32 v19, v8;
	v18 =	vld [tilespmem:s10+$0xFFFFFEC0]  }
0xb9: {  	v4 =	vadd.f32 v20, v4;
	v5 =	vadd.f32 v21, v5;
	v19 =	vld [tilespmem:s10+$0xFFFFFEF0]  }
0xba: {  	v6 =	vadd.f32 v16, v6;
	v8 =	vadd.f32 v17, v8;
	v16 =	vld [tilespmem:s10+$0xFFFFFF00]  }
0xbb: {  	v4 =	vadd.f32 v22, v4;
	v5 =	vadd.f32 v23, v5;
	v17 =	vld [tilespmem:s10+$0xFFFFFF30]  }
0xbc: {  	v6 =	vadd.f32 v14, v6;
	v8 =	vadd.f32 v15, v8;
	v14 =	vld [tilespmem:s10+$0xFFFFFF40]  }
0xbd: {  	v15 =	vadd.f32 v24, v4;
	v5 =	vadd.f32 v18, v5;
	v4 =	vld [tilespmem:s10+$0xFFFFFF70]  }
.Ltmp3:
0xbe: {  	v11 =	vadd.f32 v11, v6;
	v8 =	vadd.f32 v13, v8;
	v6 =	vld [tilespmem:s10+$0xFFFFFF80];
	(pc) =	sbr.rel @p1 .LBB2_5-.Ltmp3, $4  }
0xbf: {  	v13 =	vadd.f32 v19, v15;
	v15 =	vadd.f32 v16, v5;
	v5 =	vld [tilespmem:s10+$0xFFFFFFB0]  }
0xc0: {  	v16 =	vadd.f32 v7, v11;
	v18 =	vadd.f32 v10, v8;
	v8 =	vld [tilespmem:s10+$0xFFFFFFC0]  }
0xc1: {  	v11 =	vadd.f32 v17, v13;
	v10 =	vadd.f32 v14, v15;
	v7 =	vld [tilespmem:s10+$0xFFFFFFF0]  }
0xc2: {  	v13 =	vadd.f32 v12, v16;
	v12 =	vadd.f32 v9, v18;
	v9 =	vld [tilespmem:s10+$0x0];
	s10 =	sadd.s32 $0x200, s10  }
0xc3: {  	_ = 	snop  }
0xc4: {  	v4 =	vadd.f32 v4, v11;
	v2 =	vadd.f32 v2, v13  }
0xc5: {  	v6 =	vadd.f32 v6, v10;
	v3 =	vadd.f32 v3, v12  }
0xc6: {  	v4 =	vadd.f32 v5, v4;
	v0 =	vadd.f32 v0, v2  }
0xc7: {  	v2 =	vadd.f32 v8, v6;
	v1 =	vadd.f32 v1, v3  }
0xc8: {  	v3 =	vadd.f32 v7, v4;
	v0 =	vmul.f32 $4.999999890e-03, v0  }
0xc9: {  	v2 =	vadd.f32 v9, v2;
	v1 =	vmul.f32 $4.999999890e-03, v1  }
0xca: {  	[tilespmem:s1+$0x13040] =	vst v0;
	v0 =	vmul.f32 $4.999999890e-03, v3  }
0xcb: {  	[tilespmem:s1+$0x13050] =	vst v1;
	v1 =	vmul.f32 $4.999999890e-03, v2  }
0xcc: {  	[tilespmem:s1+$0x13060] =	vst v0  }
0xcd: {  	s9 =	sadd.s32 @!p0 $0x410, s0;
	s10 =	simm.s32 @!p0 $0x64;
	s11 =	simm.s32 @!p0 $0x9A00;
	[tilespmem:s1+$0x13070] =	vst v1  }
0xce: {  	[tilespmem:s11], [sflag:$0x2] =	stream.indirect.gather @!p0 [hbm4b:s3+s10], $0x40, s9, s10, $0xb8;
	[tilespmem:$0x15000] =	vst v63  }
0xcf: {  	s9 =	sadd.s32 @!p0 $0x478, s0;
	s11 =	simm.s32 @!p0 $0xB300  }
0xd0: {  	[tilespmem:s11], [sflag:$0x2] =	stream.indirect.gather @!p0 [hbm4b:s3+s10], $0x40, s9, s10, $0xb8;
	[tilespmem:$0x15000] =	vst v63  }
0xd1: {  	_ =	swait.ge [sflag:s26], $0x1900  }
0xd2: {  	[sflag:s26] =	ssyncset.done $0x0  }
0xd3: {  	[sflag:s26] =	ssyncadd.s32 $0xFFFFE700  }
0xd4: {  	_ =	swait.ge [sflag:s26], $0x1900  }
0xd5: {  	[sflag:s26] =	ssyncset.done $0x0  }
0xd6: {  	s11 =	simm.s32 $0xCC00;
	[sflag:s26] =	ssyncadd.s32 $0xFFFFE700  }
0xd7: {  	v0 =	vld [tilespmem:s11+$0x1C0]  }
0xd8: {  	v1 =	vld [tilespmem:s11+$0x1D0]  }
0xd9: {  	v2 =	vld [tilespmem:s11+$0x180]  }
0xda: {  	v3 =	vld [tilespmem:s11+$0x190]  }
0xdb: {  	v9 =	vld [tilespmem:s11+$0x140]  }
0xdc: {  	v12 =	vld [tilespmem:s11+$0x150]  }
0xdd: {  	v7 =	vld [tilespmem:s11+$0x100]  }
0xde: {  	v8 =	vld [tilespmem:s11+$0x110]  }
0xdf: {  	v5 =	vld [tilespmem:s11+$0xC0]  }
0xe0: {  	v6 =	vld [tilespmem:s11+$0xD0]  }
0xe1: {  	v4 =	vld [tilespmem:s11+$0x80]  }
0xe2: {  	v10 =	vld [tilespmem:s11+$0x90]  }
0xe3: {  	v11 =	vld [tilespmem:s11+$0x40]  }
0xe4: {  	v13 =	vld [tilespmem:s11+$0x50]  }
0xe5: {  	v14 =	vld [tilespmem:s11+$0x0]  }
0xe6: {  	v15 =	vld [tilespmem:s11+$0x10]  }
0xe7: {  	v16 =	vld [tilespmem:s11+$0x20]  }
0xe8: {  	v17 =	vld [tilespmem:s11+$0x30]  }
0xe9: {  	v18 =	vld [tilespmem:s11+$0x60]  }
0xea: {  	v19 =	vld [tilespmem:s11+$0x70]  }
0xeb: {  	v20 =	vimm.f32 $0.0e+00;
	v21 =	vld [tilespmem:s11+$0xA0]  }
0xec: {  	v22 =	vld [tilespmem:s11+$0xB0];
	v14 =	vadd.f32 v14, v20;
	v15 =	vadd.f32 v15, v20  }
0xed: {  	v59 =	vld [tilespmem:s11+$0xE0];
	v16 =	vadd.f32 v16, v20;
	v17 =	vadd.f32 v17, v20  }
0xee: {  	v11 =	vadd.f32 v11, v14;
	v13 =	vadd.f32 v13, v15;
	v14 =	vld [tilespmem:s11+$0xF0]  }
0xef: {  	v61 =	vld [tilespmem:s11+$0x120];
	v15 =	vadd.f32 v18, v16;
	v60 =	vadd.f32 v19, v17  }
0xf0: {  	v11 =	vadd.f32 v4, v11;
	v10 =	vadd.f32 v10, v13;
	v13 =	vld [tilespmem:s11+$0x130]  }
0xf1: {  	v15 =	vadd.f32 v21, v15;
	v16 =	vadd.f32 v22, v60;
	v4 =	vld [tilespmem:s11+$0x160]  }
0xf2: {  	v11 =	vadd.f32 v5, v11;
	v10 =	vadd.f32 v6, v10;
	v6 =	vld [tilespmem:s11+$0x170]  }
0xf3: {  	v15 =	vadd.f32 v59, v15;
	v5 =	vld [tilespmem:s11+$0x1A0];
	v14 =	vadd.f32 v14, v16  }
0xf4: {  	v62 =	vadd.f32 v7, v11;
	v63 =	vadd.f32 v8, v10;
	v8 =	vld [tilespmem:s11+$0x1B0]  }
0xf5: {  	v11 =	vadd.f32 v61, v15;
	v7 =	vld [tilespmem:s11+$0x1E0];
	v10 =	vadd.f32 v13, v14  }
0xf6: {  	s9 =	simm.s32 $0x0;
	s10 =	simm.s32 $0xCE00;
	v13 =	vadd.f32 v9, v62;
	v12 =	vadd.f32 v12, v63;
	v9 =	vld [tilespmem:s11+$0x1F0]  }
.LBB2_7:
0xf7: {  	v14 =	vld [tilespmem:s10+$0x1C0];
	v4 =	vadd.f32 v4, v11;
	v6 =	vadd.f32 v6, v10  }
0xf8: {  	v10 =	vld [tilespmem:s10+$0x1D0];
	v11 =	vadd.f32 v2, v13;
	v12 =	vadd.f32 v3, v12  }
0xf9: {  	v2 =	vld [tilespmem:s10+$0x180];
	v4 =	vadd.f32 v5, v4;
	v5 =	vadd.f32 v8, v6  }
0xfa: {  	v3 =	vld [tilespmem:s10+$0x190];
	v6 =	vadd.f32 v0, v11;
	v8 =	vadd.f32 v1, v12  }
0xfb: {  	v12 =	vld [tilespmem:s10+$0x140];
	v4 =	vadd.f32 v7, v4;
	v5 =	vadd.f32 v9, v5  }
0xfc: {  	v9 =	vld [tilespmem:s10+$0x150];
	v0 =	vmov v14  }
0xfd: {  	v7 =	vld [tilespmem:s10+$0x100];
	v1 =	vmov v10  }
0xfe: {  	v10 =	vld [tilespmem:s10+$0x110]  }
0xff: {  	v11 =	vld [tilespmem:s10+$0xC0]  }
0x100: {  	v13 =	vld [tilespmem:s10+$0xD0]  }
0x101: {  	v14 =	vld [tilespmem:s10+$0x80]  }
0x102: {  	v15 =	vld [tilespmem:s10+$0x90]  }
0x103: {  	v16 =	vld [tilespmem:s10+$0x40]  }
0x104: {  	v17 =	vld [tilespmem:s10+$0x50]  }
0x105: {  	v18 =	vld [tilespmem:s10+$0x0]  }
0x106: {  	v19 =	vld [tilespmem:s10+$0x10]  }
0x107: {  	v20 =	vld [tilespmem:s10+$0x20]  }
0x108: {  	s9 =	sadd.s32 $0x8, s9;
	v21 =	vld [tilespmem:s10+$0x30]  }
0x109: {  	p1 =	slt.u32 s9, $0xC0;
	v22 =	vld [tilespmem:s10+$0x60]  }
0x10a: {  	v23 =	vld [tilespmem:s10+$0x70]  }
0x10b: {  	v24 =	vld [tilespmem:s10+$0xA0]  }
0x10c: {  	v6 =	vadd.f32 v18, v6;
	v8 =	vadd.f32 v19, v8;
	v18 =	vld [tilespmem:s10+$0xB0]  }
0x10d: {  	v4 =	vadd.f32 v20, v4;
	v5 =	vadd.f32 v21, v5;
	v19 =	vld [tilespmem:s10+$0xE0]  }
0x10e: {  	v6 =	vadd.f32 v16, v6;
	v8 =	vadd.f32 v17, v8;
	v16 =	vld [tilespmem:s10+$0xF0]  }
0x10f: {  	v4 =	vadd.f32 v22, v4;
	v5 =	vadd.f32 v23, v5;
	v17 =	vld [tilespmem:s10+$0x120]  }
0x110: {  	v6 =	vadd.f32 v14, v6;
	v8 =	vadd.f32 v15, v8;
	v14 =	vld [tilespmem:s10+$0x130]  }
0x111: {  	v15 =	vadd.f32 v24, v4;
	v5 =	vadd.f32 v18, v5;
	v4 =	vld [tilespmem:s10+$0x160]  }
.Ltmp4:
0x112: {  	v11 =	vadd.f32 v11, v6;
	v8 =	vadd.f32 v13, v8;
	v6 =	vld [tilespmem:s10+$0x170];
	(pc) =	sbr.rel @p1 .LBB2_7-.Ltmp4, $4  }
0x113: {  	v13 =	vadd.f32 v19, v15;
	v15 =	vadd.f32 v16, v5;
	v5 =	vld [tilespmem:s10+$0x1A0]  }
0x114: {  	v16 =	vadd.f32 v7, v11;
	v18 =	vadd.f32 v10, v8;
	v8 =	vld [tilespmem:s10+$0x1B0]  }
0x115: {  	v11 =	vadd.f32 v17, v13;
	v10 =	vadd.f32 v14, v15;
	v7 =	vld [tilespmem:s10+$0x1E0]  }
0x116: {  	v13 =	vadd.f32 v12, v16;
	v12 =	vadd.f32 v9, v18;
	v9 =	vld [tilespmem:s10+$0x1F0];
	s10 =	sadd.s32 $0x200, s10  }
0x117: {  	_ = 	snop  }
0x118: {  	v4 =	vadd.f32 v4, v11;
	v2 =	vadd.f32 v2, v13  }
0x119: {  	v6 =	vadd.f32 v6, v10;
	v3 =	vadd.f32 v3, v12  }
0x11a: {  	v4 =	vadd.f32 v5, v4;
	v0 =	vadd.f32 v0, v2  }
0x11b: {  	v2 =	vadd.f32 v8, v6;
	v1 =	vadd.f32 v1, v3  }
0x11c: {  	v3 =	vadd.f32 v7, v4;
	v0 =	vmul.f32 $4.999999890e-03, v0  }
0x11d: {  	v2 =	vadd.f32 v9, v2;
	v1 =	vmul.f32 $4.999999890e-03, v1  }
0x11e: {  	[tilespmem:s1+$0x13080] =	vst v0;
	v0 =	vmul.f32 $4.999999890e-03, v3  }
0x11f: {  	[tilespmem:s1+$0x13090] =	vst v1;
	v1 =	vmul.f32 $4.999999890e-03, v2  }
0x120: {  	[tilespmem:s1+$0x130A0] =	vst v0  }
0x121: {  	s9 =	sadd.s32 @!p0 $0x4E0, s0;
	s10 =	simm.s32 @!p0 $0x64;
	s11 =	simm.s32 @!p0 $0xCC00;
	[tilespmem:s1+$0x130B0] =	vst v1  }
0x122: {  	[tilespmem:s11], [sflag:$0x3] =	stream.indirect.gather @!p0 [hbm4b:s3+s10], $0x40, s9, s10, $0xb8;
	[tilespmem:$0x15000] =	vst v63  }
0x123: {  	s0 =	sadd.s32 @!p0 $0x548, s0;
	s9 =	simm.s32 @!p0 $0xE500  }
0x124: {  	[tilespmem:s9], [sflag:$0x3] =	stream.indirect.gather @!p0 [hbm4b:s3+s10], $0x40, s0, s10, $0xb8;
	[tilespmem:$0x15000] =	vst v63  }
0x125: {  	_ =	swait.ge [sflag:s28], $0x1900  }
0x126: {  	[sflag:s28] =	ssyncset.done $0x0  }
0x127: {  	[sflag:s28] =	ssyncadd.s32 $0xFFFFE700  }
0x128: {  	_ =	swait.ge [sflag:s28], $0x1900  }
0x129: {  	[sflag:s28] =	ssyncset.done $0x0  }
0x12a: {  	s11 =	simm.s32 $0xFE00;
	[sflag:s28] =	ssyncadd.s32 $0xFFFFE700  }
0x12b: {  	v0 =	vld [tilespmem:s11+$0x1C0]  }
0x12c: {  	v1 =	vld [tilespmem:s11+$0x1D0]  }
0x12d: {  	v2 =	vld [tilespmem:s11+$0x180]  }
0x12e: {  	v3 =	vld [tilespmem:s11+$0x190]  }
0x12f: {  	v9 =	vld [tilespmem:s11+$0x140]  }
0x130: {  	v12 =	vld [tilespmem:s11+$0x150]  }
0x131: {  	v7 =	vld [tilespmem:s11+$0x100]  }
0x132: {  	v8 =	vld [tilespmem:s11+$0x110]  }
0x133: {  	v5 =	vld [tilespmem:s11+$0xC0]  }
0x134: {  	v6 =	vld [tilespmem:s11+$0xD0]  }
0x135: {  	v4 =	vld [tilespmem:s11+$0x80]  }
0x136: {  	v10 =	vld [tilespmem:s11+$0x90]  }
0x137: {  	v11 =	vld [tilespmem:s11+$0x40]  }
0x138: {  	v13 =	vld [tilespmem:s11+$0x50]  }
0x139: {  	v14 =	vld [tilespmem:s11+$0x0]  }
0x13a: {  	v15 =	vld [tilespmem:s11+$0x10]  }
0x13b: {  	v16 =	vld [tilespmem:s11+$0x20]  }
0x13c: {  	v17 =	vld [tilespmem:s11+$0x30]  }
0x13d: {  	v18 =	vld [tilespmem:s11+$0x60]  }
0x13e: {  	v19 =	vld [tilespmem:s11+$0x70]  }
0x13f: {  	v20 =	vimm.f32 $0.0e+00;
	v21 =	vld [tilespmem:s11+$0xA0]  }
0x140: {  	v22 =	vld [tilespmem:s11+$0xB0];
	v14 =	vadd.f32 v14, v20;
	v15 =	vadd.f32 v15, v20  }
0x141: {  	v59 =	vld [tilespmem:s11+$0xE0];
	v16 =	vadd.f32 v16, v20;
	v17 =	vadd.f32 v17, v20  }
0x142: {  	v11 =	vadd.f32 v11, v14;
	v13 =	vadd.f32 v13, v15;
	v14 =	vld [tilespmem:s11+$0xF0]  }
0x143: {  	v61 =	vld [tilespmem:s11+$0x120];
	v15 =	vadd.f32 v18, v16;
	v60 =	vadd.f32 v19, v17  }
0x144: {  	v11 =	vadd.f32 v4, v11;
	v10 =	vadd.f32 v10, v13;
	v13 =	vld [tilespmem:s11+$0x130]  }
0x145: {  	v15 =	vadd.f32 v21, v15;
	v16 =	vadd.f32 v22, v60;
	v4 =	vld [tilespmem:s11+$0x160]  }
0x146: {  	v11 =	vadd.f32 v5, v11;
	v10 =	vadd.f32 v6, v10;
	v6 =	vld [tilespmem:s11+$0x170]  }
0x147: {  	v15 =	vadd.f32 v59, v15;
	v5 =	vld [tilespmem:s11+$0x1A0];
	v14 =	vadd.f32 v14, v16  }
0x148: {  	v62 =	vadd.f32 v7, v11;
	v63 =	vadd.f32 v8, v10;
	v8 =	vld [tilespmem:s11+$0x1B0]  }
0x149: {  	v11 =	vadd.f32 v61, v15;
	v7 =	vld [tilespmem:s11+$0x1E0];
	v10 =	vadd.f32 v13, v14  }
0x14a: {  	s0 =	simm.s32 $0x0;
	s9 =	simm.s32 $0x10000;
	v13 =	vadd.f32 v9, v62;
	v12 =	vadd.f32 v12, v63;
	v9 =	vld [tilespmem:s11+$0x1F0]  }
.LBB2_9:
0x14b: {  	v14 =	vld [tilespmem:s9+$0x1C0];
	v4 =	vadd.f32 v4, v11;
	v6 =	vadd.f32 v6, v10  }
0x14c: {  	v10 =	vld [tilespmem:s9+$0x1D0];
	v11 =	vadd.f32 v2, v13;
	v12 =	vadd.f32 v3, v12  }
0x14d: {  	v2 =	vld [tilespmem:s9+$0x180];
	v4 =	vadd.f32 v5, v4;
	v5 =	vadd.f32 v8, v6  }
0x14e: {  	v3 =	vld [tilespmem:s9+$0x190];
	v6 =	vadd.f32 v0, v11;
	v8 =	vadd.f32 v1, v12  }
0x14f: {  	v12 =	vld [tilespmem:s9+$0x140];
	v4 =	vadd.f32 v7, v4;
	v5 =	vadd.f32 v9, v5  }
0x150: {  	v9 =	vld [tilespmem:s9+$0x150];
	v0 =	vmov v14  }
0x151: {  	v7 =	vld [tilespmem:s9+$0x100];
	v1 =	vmov v10  }
0x152: {  	v10 =	vld [tilespmem:s9+$0x110]  }
0x153: {  	v11 =	vld [tilespmem:s9+$0xC0]  }
0x154: {  	v13 =	vld [tilespmem:s9+$0xD0]  }
0x155: {  	v14 =	vld [tilespmem:s9+$0x80]  }
0x156: {  	v15 =	vld [tilespmem:s9+$0x90]  }
0x157: {  	v16 =	vld [tilespmem:s9+$0x40]  }
0x158: {  	v17 =	vld [tilespmem:s9+$0x50]  }
0x159: {  	v18 =	vld [tilespmem:s9+$0x0]  }
0x15a: {  	v19 =	vld [tilespmem:s9+$0x10]  }
0x15b: {  	v20 =	vld [tilespmem:s9+$0x20]  }
0x15c: {  	s0 =	sadd.s32 $0x8, s0;
	v21 =	vld [tilespmem:s9+$0x30]  }
0x15d: {  	p1 =	slt.u32 s0, $0xC0;
	v22 =	vld [tilespmem:s9+$0x60]  }
0x15e: {  	v23 =	vld [tilespmem:s9+$0x70]  }
0x15f: {  	v24 =	vld [tilespmem:s9+$0xA0]  }
0x160: {  	v6 =	vadd.f32 v18, v6;
	v8 =	vadd.f32 v19, v8;
	v18 =	vld [tilespmem:s9+$0xB0]  }
0x161: {  	v4 =	vadd.f32 v20, v4;
	v5 =	vadd.f32 v21, v5;
	v19 =	vld [tilespmem:s9+$0xE0]  }
0x162: {  	v6 =	vadd.f32 v16, v6;
	v8 =	vadd.f32 v17, v8;
	v16 =	vld [tilespmem:s9+$0xF0]  }
0x163: {  	v4 =	vadd.f32 v22, v4;
	v5 =	vadd.f32 v23, v5;
	v17 =	vld [tilespmem:s9+$0x120]  }
0x164: {  	v6 =	vadd.f32 v14, v6;
	v8 =	vadd.f32 v15, v8;
	v14 =	vld [tilespmem:s9+$0x130]  }
0x165: {  	v15 =	vadd.f32 v24, v4;
	v5 =	vadd.f32 v18, v5;
	v4 =	vld [tilespmem:s9+$0x160]  }
.Ltmp5:
0x166: {  	v11 =	vadd.f32 v11, v6;
	v8 =	vadd.f32 v13, v8;
	v6 =	vld [tilespmem:s9+$0x170];
	(pc) =	sbr.rel @p1 .LBB2_9-.Ltmp5, $4  }
0x167: {  	v13 =	vadd.f32 v19, v15;
	v15 =	vadd.f32 v16, v5;
	v5 =	vld [tilespmem:s9+$0x1A0]  }
0x168: {  	v16 =	vadd.f32 v7, v11;
	v18 =	vadd.f32 v10, v8;
	v8 =	vld [tilespmem:s9+$0x1B0]  }
0x169: {  	v11 =	vadd.f32 v17, v13;
	v10 =	vadd.f32 v14, v15;
	v7 =	vld [tilespmem:s9+$0x1E0]  }
0x16a: {  	v13 =	vadd.f32 v12, v16;
	v12 =	vadd.f32 v9, v18;
	v9 =	vld [tilespmem:s9+$0x1F0];
	s9 =	sadd.s32 $0x200, s9  }
0x16b: {  	_ = 	snop  }
0x16c: {  	v4 =	vadd.f32 v4, v11;
	v2 =	vadd.f32 v2, v13  }
0x16d: {  	v6 =	vadd.f32 v6, v10;
	v3 =	vadd.f32 v3, v12  }
0x16e: {  	v4 =	vadd.f32 v5, v4;
	v0 =	vadd.f32 v0, v2  }
0x16f: {  	v60 =	vadd.f32 v8, v6;
	v1 =	vadd.f32 v1, v3  }
0x170: {  	v61 =	vadd.f32 v7, v4;
	v0 =	vmul.f32 $4.999999890e-03, v0  }
.Ltmp6:
0x171: {  	v2 =	vadd.f32 v9, v60;
	v1 =	vmul.f32 $4.999999890e-03, v1;
	(pc) =	sbr.rel @p0 .LBB2_12-.Ltmp6, $4  }
0x172: {  	v62 =	vmul.f32 $4.999999890e-03, v61;
	[tilespmem:s1+$0x130C0] =	vst v0  }
0x173: {  	v63 =	vmul.f32 $4.999999890e-03, v2;
	[tilespmem:s1+$0x130D0] =	vst v1  }
0x174: {  	[tilespmem:s1+$0x130E0] =	vst v62  }
0x175: {  	[tilespmem:s1+$0x130F0] =	vst v63  }
0x176: {  	s0 =	smul.u32 $0xD00, s31;
	_ =	sdelay $0x1  }
.Ltmp7:
0x177: {  	s0 =	sshra.s32 s0, $0x2;
	(pc) =	sbr.rel .LBB2_2-.Ltmp7, $4  }
0x178: {  	s1 =	sadd.s32 $0x5B0, s0  }
0x179: {  	[tilespmem:s21], [sflag:$0x4] =	stream.indirect.gather [hbm4b:s3+s8], $0x40, s1, s8, $0xb8;
	[tilespmem:$0x15000] =	vst v63  }
0x17a: {  	s31 =	sadd.s32 $0x1, s31;
	s0 =	sadd.s32 $0x618, s0  }
0x17b: {  	[tilespmem:s23], [sflag:$0x4] =	stream.indirect.gather [hbm4b:s3+s8], $0x40, s0, s8, $0xb8;
	[tilespmem:$0x15000] =	vst v63  }
.LBB2_13:
0x17c: {  	_ =	sfence.sel $0x180000  }
0x17d: {  	[bflag:$0x0] =	sbarrier.arrive $0xFFFF  }
0x17e: {  	_ =	strace $0x90000047  }
0x17f: {  	s0 =	stileid.u32;
	[bflag:$0x2] =	sbarrier.arrive $0xFFFF  }
0x180: {  	p0 =	sne.s32 s0, $0x0;
	s0 =	rddreg [dreg:$0x2]  }
0x181: {  	s0 =	sadd.s32 @!p0 $0x100000, s0  }
0x182: {  	[sflag:s0] =	ssyncadd.tile.s32 @!p0 $0x1;
	_ =	shalt  }
.Lfunc_end2:
_tile_overlayer_lowered:
.L_overlay_start_2:
0x183: {  	(tag) =	ssettag $0x2  }
0x184: {  	s0 =	rddreg [dreg:$0x0];
	s2 =	stileid.u32  }
0x185: {  	s1 =	rddreg [dreg:$0x1];
	p0 =	sne.s32 s2, $0x0  }
0x186: {  	s3 =	rddreg [dreg:$0x2];
	[bflag:$0x3] =	sbarrier.arrive $0xFFFF;
	s2 =	simm.s32 @!p0 $0x1C05  }
0x187: {  	[timem:s3], [sflag:s2] =	dma.local @!p0 [hbm:s0], s1  }
0x188: {  	s0 =	simm.s32 @!p0 $0x5  }
0x189: {  	_ =	swait.ge @!p0 [sflag:s0], s1  }
0x18a: {  	s1 =	ssub.s32 @!p0 $0x0, s1;
	[sflag:s0] =	ssyncset.done @!p0 $0x0  }
0x18b: {  	[sflag:s0] =	ssyncadd.s32 @!p0 s1  }
0x18c: {  	[bflag:$0x3] =	sbarrier.arrive $0xFFFF  }
0x18d: {  	_ =	shalt  }

</sc_bundles>
